<compile_context>
chip_gen: v7x
topology: tpu7x:2x2x1
jax: 0.10.2.dev20260603
libtpu: 0.0.44.dev20260713+nightly
codegen_flags: <defaults>
</compile_context>

<pallas_src>
import functools

import jax
import jax.numpy as jnp
from jax import lax
from jax.experimental import pallas as pl
from jax.experimental.pallas import tpu as pltpu
from jax.experimental.pallas import tpu_sc as plsc

_NUM_CORES = 2
_NUM_SUBCORES = 16
_NUM_WORKERS = _NUM_CORES * _NUM_SUBCORES
_LANES = 16

_RCHUNK = 16
_HPAD = 56


@functools.lru_cache(maxsize=None)
def _make_emb(B: int, H: int, D: int):
    assert B % (_NUM_WORKERS * 2 * _RCHUNK) == 0
    r_per_w = B // _NUM_WORKERS
    n_chunks = r_per_w // _RCHUNK
    n_iters = n_chunks // 2
    assert _LANES <= H <= _HPAD
    mesh = plsc.VectorSubcoreMesh(core_axis_name="c", subcore_axis_name="s")

    @functools.partial(
        pl.kernel,
        out_type=jax.ShapeDtypeStruct((B, H, D), jnp.float32),
        mesh=mesh,
        scratch_types=[
            pltpu.VMEM((r_per_w, H), jnp.int32),
            pltpu.VMEM((r_per_w, H), jnp.int32),
            pltpu.VMEM((_RCHUNK, H, D), jnp.float32),
            pltpu.VMEM((_RCHUNK, H, D), jnp.float32),
            pltpu.SemaphoreType.DMA,
            pltpu.SemaphoreType.DMA,
            pltpu.SemaphoreType.DMA,
            pltpu.SemaphoreType.DMA,
        ],
        compiler_params=pltpu.CompilerParams(use_tc_tiling_on_sc=False),
    )
    def emb(idx_hbm, table_hbm, out_hbm, idx_v, safe_v, rows_a, rows_b,
            semg_a, semg_b, semst_a, semst_b):
        wid = lax.axis_index("s") * _NUM_CORES + lax.axis_index("c")
        base_w = wid * r_per_w

        pltpu.sync_copy(idx_hbm.at[pl.ds(base_w, r_per_w)], idx_v)

        offsets = sorted(set(range(0, H - _LANES + 1, _LANES)) | {H - _LANES})

        def t_body(r, carry):
            for o in offsets:
                v = idx_v[r, pl.ds(o, _LANES)]
                safe_v[r, pl.ds(o, _LANES)] = jnp.where(v == -100, 0, v) + 1
            return carry

        lax.fori_loop(0, r_per_w, t_body, 0)

        def fire_gathers(s, rows, sem):
            for k in range(_RCHUNK):
                pltpu.async_copy(
                    table_hbm.at[safe_v.at[s * _RCHUNK + k]],
                    rows.at[k],
                    sem,
                )

        def drain(sem, rows):
            pltpu.make_async_copy(
                out_hbm.at[pl.ds(base_w, _RCHUNK)], rows, sem).wait()

        def fire_store(s, rows, sem):
            pltpu.async_copy(
                rows, out_hbm.at[pl.ds(base_w + s * _RCHUNK, _RCHUNK)], sem)

        def drain_store(sem):
            pltpu.make_async_copy(
                rows_a, out_hbm.at[pl.ds(base_w, _RCHUNK)], sem).wait()

        fire_gathers(0, rows_a, semg_a)

        def body(t, carry):
            s0 = 2 * t
            s1 = s0 + 1

            @pl.when(t > 0)
            def _():
                drain_store(semst_b)
            fire_gathers(s1, rows_b, semg_b)
            drain(semg_a, rows_a)
            fire_store(s0, rows_a, semst_a)

            @pl.when(t < n_iters - 1)
            def _():
                drain_store(semst_a)
                fire_gathers(s0 + 2, rows_a, semg_a)
            drain(semg_b, rows_b)
            fire_store(s1, rows_b, semst_b)
            return carry

        lax.fori_loop(0, n_iters, body, 0)
        drain_store(semst_a)
        drain_store(semst_b)

    return emb


def kernel(action_idx, table):
    B, H = action_idx.shape
    D = table.shape[1]
    return _make_emb(B, H, D)(action_idx, table)

# --- scband reference (transcript-rebuilt; emitter-appended) ---
"""Pipeline reference for scband-action-embedding-15504831939071 (READ-ONLY COPY).

The authoritative reference and input builder live on the scoring server;
editing this copy changes nothing except your own understanding.
"""

import jax, jax.numpy as jnp
import numpy as np

NUM_ACTIONS = 1000000
EMB_DIM = 32
BATCH = 16384
HIST = 50


def setup_inputs(seed: int = 0) -> dict:
    key = jax.random.key(seed)
    k_idx, k_tab = jax.random.split(key)
    # action_idx in [0, NUM_ACTIONS); -1 (START) and -100 (pad) are also legal
    # values for the module, but randint keeps everything in-range.
    action_idx = jax.random.randint(k_idx, (BATCH, HIST), 0, NUM_ACTIONS, dtype=jnp.int32)
    # Embedding table: (num_actions + 1, emb_dim), matching nn.Embedding init scale.
    table = jax.random.normal(k_tab, (NUM_ACTIONS + 1, EMB_DIM), dtype=jnp.float32)
    return {"action_idx": action_idx, "table": table}


def reference(action_idx, table):
    # safe_idx = action_idx.clone(); safe_idx[safe_idx == -100] = 0
    safe_idx = jnp.where(action_idx == -100, 0, action_idx)
    # self.embedding(safe_idx + 1)
    return jnp.take(table, safe_idx + 1, axis=0)

if __name__ == "__main__":
    import jax
    _d = setup_inputs()
    print(jax.jit(kernel)(*tuple(_d.values())))

</pallas_src>

<mosaic_0001>
#map = affine_map<(d0, d1) -> (0, 0)>
#map1 = affine_map<(d0, d1) -> (0, 0, 0)>
module attributes {stable_mosaic.version = 14 : i64} {
  func.func @emb(%arg0: i32, %arg1: i32, %arg2: memref<16384x50xi32, #tpu.memory_space<hbm>>, %arg3: memref<1000001x32xf32, #tpu.memory_space<hbm>>, %arg4: memref<16384x50x32xf32, #tpu.memory_space<hbm>>, %arg5: memref<512x50xi32, #tpu.memory_space<vmem>>, %arg6: memref<512x50xi32, #tpu.memory_space<vmem>>, %arg7: memref<16x50x32xf32, #tpu.memory_space<vmem>>, %arg8: memref<16x50x32xf32, #tpu.memory_space<vmem>>, %arg9: memref<!tpu.dma_semaphore, #tpu.memory_space<semaphore_mem>>, %arg10: memref<!tpu.dma_semaphore, #tpu.memory_space<semaphore_mem>>, %arg11: memref<!tpu.dma_semaphore, #tpu.memory_space<semaphore_mem>>, %arg12: memref<!tpu.dma_semaphore, #tpu.memory_space<semaphore_mem>>) attributes {dimension_semantics = [#tpu.dimension_semantics<core_parallel>, #tpu.dimension_semantics<subcore_parallel>], iteration_bounds = array<i64: 2, 16>, scalar_prefetch = 0 : i64, scratch_operands = 8 : i64, tpu.core_type = #tpu.core_type<sc_vector_subcore>, window_params = [{transform_indices = #map}, {transform_indices = #map}, {transform_indices = #map1}]} {
    %mul3A = arith.constant 2 : i32
    %mul3A_0 = arith.muli %arg1, %mul3A : i32
    %add3A = arith.addi %mul3A_0, %arg0 : i32
    %mul3A_1 = arith.constant 512 : i32
    %mul3A_2 = arith.muli %add3A, %mul3A_1 : i32
    "tpu.region"() ({
      %run_scoped3A = tpu.sem_alloc : memref<!tpu.dma_semaphore, #tpu.memory_space<semaphore_mem>>
      %dma_start3A_216 = arith.constant 0 : i32
      %dma_start3A_217 = tpu.memref_slice %arg2[%mul3A_2, %dma_start3A_216] : memref<16384x50xi32, #tpu.memory_space<hbm>> -> memref<512x50xi32, #tpu.memory_space<hbm>>
      %dma_start3A_218 = arith.constant 0 : i32
      %dma_start3A_219 = tpu.memref_slice %arg2[%mul3A_2, %dma_start3A_218] : memref<16384x50xi32, #tpu.memory_space<hbm>> -> memref<512x50xi32, #tpu.memory_space<hbm>>
      tpu.enqueue_dma source(%dma_start3A_219 : memref<512x50xi32, #tpu.memory_space<hbm>>) target(%arg5 : memref<512x50xi32, #tpu.memory_space<vmem>>) target_semaphore(%run_scoped3A : memref<!tpu.dma_semaphore, #tpu.memory_space<semaphore_mem>>)
      %dma_wait3A_220 = arith.constant 0 : i32
      %dma_wait3A_221 = tpu.memref_slice %arg2[%mul3A_2, %dma_wait3A_220] : memref<16384x50xi32, #tpu.memory_space<hbm>> -> memref<512x50xi32, #tpu.memory_space<hbm>>
      %dma_wait3A_222 = arith.constant 0 : i32
      %dma_wait3A_223 = tpu.memref_slice %arg2[%mul3A_2, %dma_wait3A_222] : memref<16384x50xi32, #tpu.memory_space<hbm>> -> memref<512x50xi32, #tpu.memory_space<hbm>>
      tpu.wait_dma2 semaphore(%run_scoped3A : memref<!tpu.dma_semaphore, #tpu.memory_space<semaphore_mem>>) src(%dma_wait3A_223 : memref<512x50xi32, #tpu.memory_space<hbm>>) dst(%arg5 : memref<512x50xi32, #tpu.memory_space<vmem>>)
      tpu.yield
    }) : () -> ()
    %scan3A = arith.constant 0 : i32
    %scan3A_3 = arith.constant 0 : i32
    %scan3A_4 = arith.constant 512 : i32
    %scan3A_5 = arith.addi %scan3A_3, %scan3A_4 : i32
    %scan3A_6 = arith.constant 1 : i32
    scf.for %scan3A_216 = %scan3A_3 to %scan3A_5 step %scan3A_6  : i32 {
      %get3A = arith.index_cast %scan3A_216 : i32 to index
      %get3A_217 = arith.constant 0 : index
      %get3A_218 = tpu.vector_load %arg5[%get3A, %get3A_217] {strides = array<i32>} : memref<512x50xi32, #tpu.memory_space<vmem>>, vector<1x16xi32>,
      %get3A_219 = vector.shape_cast %get3A_218 : vector<1x16xi32> to vector<16xi32>
      %eq3A = arith.constant -100 : i32
      %eq3A_220 = vector.broadcast %eq3A : i32 to vector<16xi32>
      %eq3A_221 = arith.cmpi eq, %get3A_219, %eq3A_220 : vector<16xi32>
      %jit3A = arith.constant 0 : i32
      %broadcast_in_dim3A = vector.broadcast %jit3A : i32 to vector<16xi32>
      %select_n3A = arith.select %eq3A_221, %broadcast_in_dim3A, %get3A_219 : vector<16xi1>, vector<16xi32>
      %add3A_222 = arith.constant 1 : i32
      %add3A_223 = vector.broadcast %add3A_222 : i32 to vector<16xi32>
      %add3A_224 = arith.addi %select_n3A, %add3A_223 : vector<16xi32>
      %swap3A = arith.index_cast %scan3A_216 : i32 to index
      %swap3A_225 = arith.constant 0 : index
      %swap3A_226 = tpu.vector_load %arg6[%swap3A, %swap3A_225] {strides = array<i32>} : memref<512x50xi32, #tpu.memory_space<vmem>>, vector<1x16xi32>,
      %swap3A_227 = vector.shape_cast %swap3A_226 : vector<1x16xi32> to vector<16xi32>
      %swap3A_228 = vector.shape_cast %add3A_224 : vector<16xi32> to vector<1x16xi32>
      tpu.vector_store %arg6[%swap3A, %swap3A_225], %swap3A_228 {strides = array<i32>} : memref<512x50xi32, #tpu.memory_space<vmem>>, vector<1x16xi32>,
      %get3A_229 = arith.index_cast %scan3A_216 : i32 to index
      %get3A_230 = arith.constant 16 : index
      %get3A_231 = tpu.vector_load %arg5[%get3A_229, %get3A_230] {strides = array<i32>} : memref<512x50xi32, #tpu.memory_space<vmem>>, vector<1x16xi32>,
      %get3A_232 = vector.shape_cast %get3A_231 : vector<1x16xi32> to vector<16xi32>
      %eq3A_233 = arith.constant -100 : i32
      %eq3A_234 = vector.broadcast %eq3A_233 : i32 to vector<16xi32>
      %eq3A_235 = arith.cmpi eq, %get3A_232, %eq3A_234 : vector<16xi32>
      %jit3A_236 = arith.constant 0 : i32
      %broadcast_in_dim3A_237 = vector.broadcast %jit3A_236 : i32 to vector<16xi32>
      %select_n3A_238 = arith.select %eq3A_235, %broadcast_in_dim3A_237, %get3A_232 : vector<16xi1>, vector<16xi32>
      %add3A_239 = arith.constant 1 : i32
      %add3A_240 = vector.broadcast %add3A_239 : i32 to vector<16xi32>
      %add3A_241 = arith.addi %select_n3A_238, %add3A_240 : vector<16xi32>
      %swap3A_242 = arith.index_cast %scan3A_216 : i32 to index
      %swap3A_243 = arith.constant 16 : index
      %swap3A_244 = tpu.vector_load %arg6[%swap3A_242, %swap3A_243] {strides = array<i32>} : memref<512x50xi32, #tpu.memory_space<vmem>>, vector<1x16xi32>,
      %swap3A_245 = vector.shape_cast %swap3A_244 : vector<1x16xi32> to vector<16xi32>
      %swap3A_246 = vector.shape_cast %add3A_241 : vector<16xi32> to vector<1x16xi32>
      tpu.vector_store %arg6[%swap3A_242, %swap3A_243], %swap3A_246 {strides = array<i32>} : memref<512x50xi32, #tpu.memory_space<vmem>>, vector<1x16xi32>,
      %get3A_247 = arith.index_cast %scan3A_216 : i32 to index
      %get3A_248 = arith.constant 32 : index
      %get3A_249 = tpu.vector_load %arg5[%get3A_247, %get3A_248] {strides = array<i32>} : memref<512x50xi32, #tpu.memory_space<vmem>>, vector<1x16xi32>,
      %get3A_250 = vector.shape_cast %get3A_249 : vector<1x16xi32> to vector<16xi32>
      %eq3A_251 = arith.constant -100 : i32
      %eq3A_252 = vector.broadcast %eq3A_251 : i32 to vector<16xi32>
      %eq3A_253 = arith.cmpi eq, %get3A_250, %eq3A_252 : vector<16xi32>
      %jit3A_254 = arith.constant 0 : i32
      %broadcast_in_dim3A_255 = vector.broadcast %jit3A_254 : i32 to vector<16xi32>
      %select_n3A_256 = arith.select %eq3A_253, %broadcast_in_dim3A_255, %get3A_250 : vector<16xi1>, vector<16xi32>
      %add3A_257 = arith.constant 1 : i32
      %add3A_258 = vector.broadcast %add3A_257 : i32 to vector<16xi32>
      %add3A_259 = arith.addi %select_n3A_256, %add3A_258 : vector<16xi32>
      %swap3A_260 = arith.index_cast %scan3A_216 : i32 to index
      %swap3A_261 = arith.constant 32 : index
      %swap3A_262 = tpu.vector_load %arg6[%swap3A_260, %swap3A_261] {strides = array<i32>} : memref<512x50xi32, #tpu.memory_space<vmem>>, vector<1x16xi32>,
      %swap3A_263 = vector.shape_cast %swap3A_262 : vector<1x16xi32> to vector<16xi32>
      %swap3A_264 = vector.shape_cast %add3A_259 : vector<16xi32> to vector<1x16xi32>
      tpu.vector_store %arg6[%swap3A_260, %swap3A_261], %swap3A_264 {strides = array<i32>} : memref<512x50xi32, #tpu.memory_space<vmem>>, vector<1x16xi32>,
      %get3A_265 = arith.index_cast %scan3A_216 : i32 to index
      %get3A_266 = arith.constant 34 : index
      %get3A_267 = tpu.vector_load %arg5[%get3A_265, %get3A_266] {strides = array<i32>} : memref<512x50xi32, #tpu.memory_space<vmem>>, vector<1x16xi32>,
      %get3A_268 = vector.shape_cast %get3A_267 : vector<1x16xi32> to vector<16xi32>
      %eq3A_269 = arith.constant -100 : i32
      %eq3A_270 = vector.broadcast %eq3A_269 : i32 to vector<16xi32>
      %eq3A_271 = arith.cmpi eq, %get3A_268, %eq3A_270 : vector<16xi32>
      %jit3A_272 = arith.constant 0 : i32
      %broadcast_in_dim3A_273 = vector.broadcast %jit3A_272 : i32 to vector<16xi32>
      %select_n3A_274 = arith.select %eq3A_271, %broadcast_in_dim3A_273, %get3A_268 : vector<16xi1>, vector<16xi32>
      %add3A_275 = arith.constant 1 : i32
      %add3A_276 = vector.broadcast %add3A_275 : i32 to vector<16xi32>
      %add3A_277 = arith.addi %select_n3A_274, %add3A_276 : vector<16xi32>
      %swap3A_278 = arith.index_cast %scan3A_216 : i32 to index
      %swap3A_279 = arith.constant 34 : index
      %swap3A_280 = tpu.vector_load %arg6[%swap3A_278, %swap3A_279] {strides = array<i32>} : memref<512x50xi32, #tpu.memory_space<vmem>>, vector<1x16xi32>,
      %swap3A_281 = vector.shape_cast %swap3A_280 : vector<1x16xi32> to vector<16xi32>
      %swap3A_282 = vector.shape_cast %add3A_277 : vector<16xi32> to vector<1x16xi32>
      tpu.vector_store %arg6[%swap3A_278, %swap3A_279], %swap3A_282 {strides = array<i32>} : memref<512x50xi32, #tpu.memory_space<vmem>>, vector<1x16xi32>,
    }
    %scan3A_7 = arith.constant 512 : i32
    %dma_start3A = arith.constant 0 : i32
    %dma_start3A_8 = arith.constant 0 : i32
    %dma_start3A_9 = arith.constant 0 : i32
    %dma_start3A_10 = arith.constant 0 : i32
    %dma_start3A_11 = tpu.memref_slice %arg7[%dma_start3A_8, %dma_start3A_9, %dma_start3A_10] : memref<16x50x32xf32, #tpu.memory_space<vmem>> -> memref<1x50x32xf32, #tpu.memory_space<vmem>>
    %dma_start3A_12 = tpu.memref_squeeze %dma_start3A_11 : memref<1x50x32xf32, #tpu.memory_space<vmem>> -> memref<50x32xf32, #tpu.memory_space<vmem>>
    %dma_start3A_13 = arith.constant 0 : i32
    %dma_start3A_14 = tpu.memref_slice %arg6[%dma_start3A, %dma_start3A_13] : memref<512x50xi32, #tpu.memory_space<vmem>> -> memref<1x50xi32, #tpu.memory_space<vmem>>
    %dma_start3A_15 = tpu.memref_squeeze %dma_start3A_14 : memref<1x50xi32, #tpu.memory_space<vmem>> -> memref<50xi32, #tpu.memory_space<vmem>>
    %dma_start3A_16 = arith.constant 0 : i32
    %dma_start3A_17 = arith.constant 0 : i32
    %dma_start3A_18 = tpu.memref_slice %arg3[%dma_start3A_16, %dma_start3A_17] : memref<1000001x32xf32, #tpu.memory_space<hbm>> -> memref<1000001x32xf32, #tpu.memory_space<hbm>>
    tpu.enqueue_indirect_dma source(%dma_start3A_18 : memref<1000001x32xf32, #tpu.memory_space<hbm>>) target(%dma_start3A_12 : memref<50x32xf32, #tpu.memory_space<vmem>>) offsets(%dma_start3A_15 : memref<50xi32, #tpu.memory_space<vmem>>) semaphore(%arg9 : memref<!tpu.dma_semaphore, #tpu.memory_space<semaphore_mem>>)
    %dma_start3A_19 = arith.constant 1 : i32
    %dma_start3A_20 = arith.constant 1 : i32
    %dma_start3A_21 = arith.constant 0 : i32
    %dma_start3A_22 = arith.constant 0 : i32
    %dma_start3A_23 = tpu.memref_slice %arg7[%dma_start3A_20, %dma_start3A_21, %dma_start3A_22] : memref<16x50x32xf32, #tpu.memory_space<vmem>> -> memref<1x50x32xf32, #tpu.memory_space<vmem>>
    %dma_start3A_24 = tpu.memref_squeeze %dma_start3A_23 : memref<1x50x32xf32, #tpu.memory_space<vmem>> -> memref<50x32xf32, #tpu.memory_space<vmem>>
    %dma_start3A_25 = arith.constant 0 : i32
    %dma_start3A_26 = tpu.memref_slice %arg6[%dma_start3A_19, %dma_start3A_25] : memref<512x50xi32, #tpu.memory_space<vmem>> -> memref<1x50xi32, #tpu.memory_space<vmem>>
    %dma_start3A_27 = tpu.memref_squeeze %dma_start3A_26 : memref<1x50xi32, #tpu.memory_space<vmem>> -> memref<50xi32, #tpu.memory_space<vmem>>
    %dma_start3A_28 = arith.constant 0 : i32
    %dma_start3A_29 = arith.constant 0 : i32
    %dma_start3A_30 = tpu.memref_slice %arg3[%dma_start3A_28, %dma_start3A_29] : memref<1000001x32xf32, #tpu.memory_space<hbm>> -> memref<1000001x32xf32, #tpu.memory_space<hbm>>
    tpu.enqueue_indirect_dma source(%dma_start3A_30 : memref<1000001x32xf32, #tpu.memory_space<hbm>>) target(%dma_start3A_24 : memref<50x32xf32, #tpu.memory_space<vmem>>) offsets(%dma_start3A_27 : memref<50xi32, #tpu.memory_space<vmem>>) semaphore(%arg9 : memref<!tpu.dma_semaphore, #tpu.memory_space<semaphore_mem>>)
    %dma_start3A_31 = arith.constant 2 : i32
    %dma_start3A_32 = arith.constant 2 : i32
    %dma_start3A_33 = arith.constant 0 : i32
    %dma_start3A_34 = arith.constant 0 : i32
    %dma_start3A_35 = tpu.memref_slice %arg7[%dma_start3A_32, %dma_start3A_33, %dma_start3A_34] : memref<16x50x32xf32, #tpu.memory_space<vmem>> -> memref<1x50x32xf32, #tpu.memory_space<vmem>>
    %dma_start3A_36 = tpu.memref_squeeze %dma_start3A_35 : memref<1x50x32xf32, #tpu.memory_space<vmem>> -> memref<50x32xf32, #tpu.memory_space<vmem>>
    %dma_start3A_37 = arith.constant 0 : i32
    %dma_start3A_38 = tpu.memref_slice %arg6[%dma_start3A_31, %dma_start3A_37] : memref<512x50xi32, #tpu.memory_space<vmem>> -> memref<1x50xi32, #tpu.memory_space<vmem>>
    %dma_start3A_39 = tpu.memref_squeeze %dma_start3A_38 : memref<1x50xi32, #tpu.memory_space<vmem>> -> memref<50xi32, #tpu.memory_space<vmem>>
    %dma_start3A_40 = arith.constant 0 : i32
    %dma_start3A_41 = arith.constant 0 : i32
    %dma_start3A_42 = tpu.memref_slice %arg3[%dma_start3A_40, %dma_start3A_41] : memref<1000001x32xf32, #tpu.memory_space<hbm>> -> memref<1000001x32xf32, #tpu.memory_space<hbm>>
    tpu.enqueue_indirect_dma source(%dma_start3A_42 : memref<1000001x32xf32, #tpu.memory_space<hbm>>) target(%dma_start3A_36 : memref<50x32xf32, #tpu.memory_space<vmem>>) offsets(%dma_start3A_39 : memref<50xi32, #tpu.memory_space<vmem>>) semaphore(%arg9 : memref<!tpu.dma_semaphore, #tpu.memory_space<semaphore_mem>>)
    %dma_start3A_43 = arith.constant 3 : i32
    %dma_start3A_44 = arith.constant 3 : i32
    %dma_start3A_45 = arith.constant 0 : i32
    %dma_start3A_46 = arith.constant 0 : i32
    %dma_start3A_47 = tpu.memref_slice %arg7[%dma_start3A_44, %dma_start3A_45, %dma_start3A_46] : memref<16x50x32xf32, #tpu.memory_space<vmem>> -> memref<1x50x32xf32, #tpu.memory_space<vmem>>
    %dma_start3A_48 = tpu.memref_squeeze %dma_start3A_47 : memref<1x50x32xf32, #tpu.memory_space<vmem>> -> memref<50x32xf32, #tpu.memory_space<vmem>>
    %dma_start3A_49 = arith.constant 0 : i32
    %dma_start3A_50 = tpu.memref_slice %arg6[%dma_start3A_43, %dma_start3A_49] : memref<512x50xi32, #tpu.memory_space<vmem>> -> memref<1x50xi32, #tpu.memory_space<vmem>>
    %dma_start3A_51 = tpu.memref_squeeze %dma_start3A_50 : memref<1x50xi32, #tpu.memory_space<vmem>> -> memref<50xi32, #tpu.memory_space<vmem>>
    %dma_start3A_52 = arith.constant 0 : i32
    %dma_start3A_53 = arith.constant 0 : i32
    %dma_start3A_54 = tpu.memref_slice %arg3[%dma_start3A_52, %dma_start3A_53] : memref<1000001x32xf32, #tpu.memory_space<hbm>> -> memref<1000001x32xf32, #tpu.memory_space<hbm>>
    tpu.enqueue_indirect_dma source(%dma_start3A_54 : memref<1000001x32xf32, #tpu.memory_space<hbm>>) target(%dma_start3A_48 : memref<50x32xf32, #tpu.memory_space<vmem>>) offsets(%dma_start3A_51 : memref<50xi32, #tpu.memory_space<vmem>>) semaphore(%arg9 : memref<!tpu.dma_semaphore, #tpu.memory_space<semaphore_mem>>)
    %dma_start3A_55 = arith.constant 4 : i32
    %dma_start3A_56 = arith.constant 4 : i32
    %dma_start3A_57 = arith.constant 0 : i32
    %dma_start3A_58 = arith.constant 0 : i32
    %dma_start3A_59 = tpu.memref_slice %arg7[%dma_start3A_56, %dma_start3A_57, %dma_start3A_58] : memref<16x50x32xf32, #tpu.memory_space<vmem>> -> memref<1x50x32xf32, #tpu.memory_space<vmem>>
    %dma_start3A_60 = tpu.memref_squeeze %dma_start3A_59 : memref<1x50x32xf32, #tpu.memory_space<vmem>> -> memref<50x32xf32, #tpu.memory_space<vmem>>
    %dma_start3A_61 = arith.constant 0 : i32
    %dma_start3A_62 = tpu.memref_slice %arg6[%dma_start3A_55, %dma_start3A_61] : memref<512x50xi32, #tpu.memory_space<vmem>> -> memref<1x50xi32, #tpu.memory_space<vmem>>
    %dma_start3A_63 = tpu.memref_squeeze %dma_start3A_62 : memref<1x50xi32, #tpu.memory_space<vmem>> -> memref<50xi32, #tpu.memory_space<vmem>>
    %dma_start3A_64 = arith.constant 0 : i32
    %dma_start3A_65 = arith.constant 0 : i32
    %dma_start3A_66 = tpu.memref_slice %arg3[%dma_start3A_64, %dma_start3A_65] : memref<1000001x32xf32, #tpu.memory_space<hbm>> -> memref<1000001x32xf32, #tpu.memory_space<hbm>>
    tpu.enqueue_indirect_dma source(%dma_start3A_66 : memref<1000001x32xf32, #tpu.memory_space<hbm>>) target(%dma_start3A_60 : memref<50x32xf32, #tpu.memory_space<vmem>>) offsets(%dma_start3A_63 : memref<50xi32, #tpu.memory_space<vmem>>) semaphore(%arg9 : memref<!tpu.dma_semaphore, #tpu.memory_space<semaphore_mem>>)
    %dma_start3A_67 = arith.constant 5 : i32
    %dma_start3A_68 = arith.constant 5 : i32
    %dma_start3A_69 = arith.constant 0 : i32
    %dma_start3A_70 = arith.constant 0 : i32
    %dma_start3A_71 = tpu.memref_slice %arg7[%dma_start3A_68, %dma_start3A_69, %dma_start3A_70] : memref<16x50x32xf32, #tpu.memory_space<vmem>> -> memref<1x50x32xf32, #tpu.memory_space<vmem>>
    %dma_start3A_72 = tpu.memref_squeeze %dma_start3A_71 : memref<1x50x32xf32, #tpu.memory_space<vmem>> -> memref<50x32xf32, #tpu.memory_space<vmem>>
    %dma_start3A_73 = arith.constant 0 : i32
    %dma_start3A_74 = tpu.memref_slice %arg6[%dma_start3A_67, %dma_start3A_73] : memref<512x50xi32, #tpu.memory_space<vmem>> -> memref<1x50xi32, #tpu.memory_space<vmem>>
    %dma_start3A_75 = tpu.memref_squeeze %dma_start3A_74 : memref<1x50xi32, #tpu.memory_space<vmem>> -> memref<50xi32, #tpu.memory_space<vmem>>
    %dma_start3A_76 = arith.constant 0 : i32
    %dma_start3A_77 = arith.constant 0 : i32
    %dma_start3A_78 = tpu.memref_slice %arg3[%dma_start3A_76, %dma_start3A_77] : memref<1000001x32xf32, #tpu.memory_space<hbm>> -> memref<1000001x32xf32, #tpu.memory_space<hbm>>
    tpu.enqueue_indirect_dma source(%dma_start3A_78 : memref<1000001x32xf32, #tpu.memory_space<hbm>>) target(%dma_start3A_72 : memref<50x32xf32, #tpu.memory_space<vmem>>) offsets(%dma_start3A_75 : memref<50xi32, #tpu.memory_space<vmem>>) semaphore(%arg9 : memref<!tpu.dma_semaphore, #tpu.memory_space<semaphore_mem>>)
    %dma_start3A_79 = arith.constant 6 : i32
    %dma_start3A_80 = arith.constant 6 : i32
    %dma_start3A_81 = arith.constant 0 : i32
    %dma_start3A_82 = arith.constant 0 : i32
    %dma_start3A_83 = tpu.memref_slice %arg7[%dma_start3A_80, %dma_start3A_81, %dma_start3A_82] : memref<16x50x32xf32, #tpu.memory_space<vmem>> -> memref<1x50x32xf32, #tpu.memory_space<vmem>>
    %dma_start3A_84 = tpu.memref_squeeze %dma_start3A_83 : memref<1x50x32xf32, #tpu.memory_space<vmem>> -> memref<50x32xf32, #tpu.memory_space<vmem>>
    %dma_start3A_85 = arith.constant 0 : i32
    %dma_start3A_86 = tpu.memref_slice %arg6[%dma_start3A_79, %dma_start3A_85] : memref<512x50xi32, #tpu.memory_space<vmem>> -> memref<1x50xi32, #tpu.memory_space<vmem>>
    %dma_start3A_87 = tpu.memref_squeeze %dma_start3A_86 : memref<1x50xi32, #tpu.memory_space<vmem>> -> memref<50xi32, #tpu.memory_space<vmem>>
    %dma_start3A_88 = arith.constant 0 : i32
    %dma_start3A_89 = arith.constant 0 : i32
    %dma_start3A_90 = tpu.memref_slice %arg3[%dma_start3A_88, %dma_start3A_89] : memref<1000001x32xf32, #tpu.memory_space<hbm>> -> memref<1000001x32xf32, #tpu.memory_space<hbm>>
    tpu.enqueue_indirect_dma source(%dma_start3A_90 : memref<1000001x32xf32, #tpu.memory_space<hbm>>) target(%dma_start3A_84 : memref<50x32xf32, #tpu.memory_space<vmem>>) offsets(%dma_start3A_87 : memref<50xi32, #tpu.memory_space<vmem>>) semaphore(%arg9 : memref<!tpu.dma_semaphore, #tpu.memory_space<semaphore_mem>>)
    %dma_start3A_91 = arith.constant 7 : i32
    %dma_start3A_92 = arith.constant 7 : i32
    %dma_start3A_93 = arith.constant 0 : i32
    %dma_start3A_94 = arith.constant 0 : i32
    %dma_start3A_95 = tpu.memref_slice %arg7[%dma_start3A_92, %dma_start3A_93, %dma_start3A_94] : memref<16x50x32xf32, #tpu.memory_space<vmem>> -> memref<1x50x32xf32, #tpu.memory_space<vmem>>
    %dma_start3A_96 = tpu.memref_squeeze %dma_start3A_95 : memref<1x50x32xf32, #tpu.memory_space<vmem>> -> memref<50x32xf32, #tpu.memory_space<vmem>>
    %dma_start3A_97 = arith.constant 0 : i32
    %dma_start3A_98 = tpu.memref_slice %arg6[%dma_start3A_91, %dma_start3A_97] : memref<512x50xi32, #tpu.memory_space<vmem>> -> memref<1x50xi32, #tpu.memory_space<vmem>>
    %dma_start3A_99 = tpu.memref_squeeze %dma_start3A_98 : memref<1x50xi32, #tpu.memory_space<vmem>> -> memref<50xi32, #tpu.memory_space<vmem>>
    %dma_start3A_100 = arith.constant 0 : i32
    %dma_start3A_101 = arith.constant 0 : i32
    %dma_start3A_102 = tpu.memref_slice %arg3[%dma_start3A_100, %dma_start3A_101] : memref<1000001x32xf32, #tpu.memory_space<hbm>> -> memref<1000001x32xf32, #tpu.memory_space<hbm>>
    tpu.enqueue_indirect_dma source(%dma_start3A_102 : memref<1000001x32xf32, #tpu.memory_space<hbm>>) target(%dma_start3A_96 : memref<50x32xf32, #tpu.memory_space<vmem>>) offsets(%dma_start3A_99 : memref<50xi32, #tpu.memory_space<vmem>>) semaphore(%arg9 : memref<!tpu.dma_semaphore, #tpu.memory_space<semaphore_mem>>)
    %dma_start3A_103 = arith.constant 8 : i32
    %dma_start3A_104 = arith.constant 8 : i32
    %dma_start3A_105 = arith.constant 0 : i32
    %dma_start3A_106 = arith.constant 0 : i32
    %dma_start3A_107 = tpu.memref_slice %arg7[%dma_start3A_104, %dma_start3A_105, %dma_start3A_106] : memref<16x50x32xf32, #tpu.memory_space<vmem>> -> memref<1x50x32xf32, #tpu.memory_space<vmem>>
    %dma_start3A_108 = tpu.memref_squeeze %dma_start3A_107 : memref<1x50x32xf32, #tpu.memory_space<vmem>> -> memref<50x32xf32, #tpu.memory_space<vmem>>
    %dma_start3A_109 = arith.constant 0 : i32
    %dma_start3A_110 = tpu.memref_slice %arg6[%dma_start3A_103, %dma_start3A_109] : memref<512x50xi32, #tpu.memory_space<vmem>> -> memref<1x50xi32, #tpu.memory_space<vmem>>
    %dma_start3A_111 = tpu.memref_squeeze %dma_start3A_110 : memref<1x50xi32, #tpu.memory_space<vmem>> -> memref<50xi32, #tpu.memory_space<vmem>>
    %dma_start3A_112 = arith.constant 0 : i32
    %dma_start3A_113 = arith.constant 0 : i32
    %dma_start3A_114 = tpu.memref_slice %arg3[%dma_start3A_112, %dma_start3A_113] : memref<1000001x32xf32, #tpu.memory_space<hbm>> -> memref<1000001x32xf32, #tpu.memory_space<hbm>>
    tpu.enqueue_indirect_dma source(%dma_start3A_114 : memref<1000001x32xf32, #tpu.memory_space<hbm>>) target(%dma_start3A_108 : memref<50x32xf32, #tpu.memory_space<vmem>>) offsets(%dma_start3A_111 : memref<50xi32, #tpu.memory_space<vmem>>) semaphore(%arg9 : memref<!tpu.dma_semaphore, #tpu.memory_space<semaphore_mem>>)
    %dma_start3A_115 = arith.constant 9 : i32
    %dma_start3A_116 = arith.constant 9 : i32
    %dma_start3A_117 = arith.constant 0 : i32
    %dma_start3A_118 = arith.constant 0 : i32
    %dma_start3A_119 = tpu.memref_slice %arg7[%dma_start3A_116, %dma_start3A_117, %dma_start3A_118] : memref<16x50x32xf32, #tpu.memory_space<vmem>> -> memref<1x50x32xf32, #tpu.memory_space<vmem>>
    %dma_start3A_120 = tpu.memref_squeeze %dma_start3A_119 : memref<1x50x32xf32, #tpu.memory_space<vmem>> -> memref<50x32xf32, #tpu.memory_space<vmem>>
    %dma_start3A_121 = arith.constant 0 : i32
    %dma_start3A_122 = tpu.memref_slice %arg6[%dma_start3A_115, %dma_start3A_121] : memref<512x50xi32, #tpu.memory_space<vmem>> -> memref<1x50xi32, #tpu.memory_space<vmem>>
    %dma_start3A_123 = tpu.memref_squeeze %dma_start3A_122 : memref<1x50xi32, #tpu.memory_space<vmem>> -> memref<50xi32, #tpu.memory_space<vmem>>
    %dma_start3A_124 = arith.constant 0 : i32
    %dma_start3A_125 = arith.constant 0 : i32
    %dma_start3A_126 = tpu.memref_slice %arg3[%dma_start3A_124, %dma_start3A_125] : memref<1000001x32xf32, #tpu.memory_space<hbm>> -> memref<1000001x32xf32, #tpu.memory_space<hbm>>
    tpu.enqueue_indirect_dma source(%dma_start3A_126 : memref<1000001x32xf32, #tpu.memory_space<hbm>>) target(%dma_start3A_120 : memref<50x32xf32, #tpu.memory_space<vmem>>) offsets(%dma_start3A_123 : memref<50xi32, #tpu.memory_space<vmem>>) semaphore(%arg9 : memref<!tpu.dma_semaphore, #tpu.memory_space<semaphore_mem>>)
    %dma_start3A_127 = arith.constant 10 : i32
    %dma_start3A_128 = arith.constant 10 : i32
    %dma_start3A_129 = arith.constant 0 : i32
    %dma_start3A_130 = arith.constant 0 : i32
    %dma_start3A_131 = tpu.memref_slice %arg7[%dma_start3A_128, %dma_start3A_129, %dma_start3A_130] : memref<16x50x32xf32, #tpu.memory_space<vmem>> -> memref<1x50x32xf32, #tpu.memory_space<vmem>>
    %dma_start3A_132 = tpu.memref_squeeze %dma_start3A_131 : memref<1x50x32xf32, #tpu.memory_space<vmem>> -> memref<50x32xf32, #tpu.memory_space<vmem>>
    %dma_start3A_133 = arith.constant 0 : i32
    %dma_start3A_134 = tpu.memref_slice %arg6[%dma_start3A_127, %dma_start3A_133] : memref<512x50xi32, #tpu.memory_space<vmem>> -> memref<1x50xi32, #tpu.memory_space<vmem>>
    %dma_start3A_135 = tpu.memref_squeeze %dma_start3A_134 : memref<1x50xi32, #tpu.memory_space<vmem>> -> memref<50xi32, #tpu.memory_space<vmem>>
    %dma_start3A_136 = arith.constant 0 : i32
    %dma_start3A_137 = arith.constant 0 : i32
    %dma_start3A_138 = tpu.memref_slice %arg3[%dma_start3A_136, %dma_start3A_137] : memref<1000001x32xf32, #tpu.memory_space<hbm>> -> memref<1000001x32xf32, #tpu.memory_space<hbm>>
    tpu.enqueue_indirect_dma source(%dma_start3A_138 : memref<1000001x32xf32, #tpu.memory_space<hbm>>) target(%dma_start3A_132 : memref<50x32xf32, #tpu.memory_space<vmem>>) offsets(%dma_start3A_135 : memref<50xi32, #tpu.memory_space<vmem>>) semaphore(%arg9 : memref<!tpu.dma_semaphore, #tpu.memory_space<semaphore_mem>>)
    %dma_start3A_139 = arith.constant 11 : i32
    %dma_start3A_140 = arith.constant 11 : i32
    %dma_start3A_141 = arith.constant 0 : i32
    %dma_start3A_142 = arith.constant 0 : i32
    %dma_start3A_143 = tpu.memref_slice %arg7[%dma_start3A_140, %dma_start3A_141, %dma_start3A_142] : memref<16x50x32xf32, #tpu.memory_space<vmem>> -> memref<1x50x32xf32, #tpu.memory_space<vmem>>
    %dma_start3A_144 = tpu.memref_squeeze %dma_start3A_143 : memref<1x50x32xf32, #tpu.memory_space<vmem>> -> memref<50x32xf32, #tpu.memory_space<vmem>>
    %dma_start3A_145 = arith.constant 0 : i32
    %dma_start3A_146 = tpu.memref_slice %arg6[%dma_start3A_139, %dma_start3A_145] : memref<512x50xi32, #tpu.memory_space<vmem>> -> memref<1x50xi32, #tpu.memory_space<vmem>>
    %dma_start3A_147 = tpu.memref_squeeze %dma_start3A_146 : memref<1x50xi32, #tpu.memory_space<vmem>> -> memref<50xi32, #tpu.memory_space<vmem>>
    %dma_start3A_148 = arith.constant 0 : i32
    %dma_start3A_149 = arith.constant 0 : i32
    %dma_start3A_150 = tpu.memref_slice %arg3[%dma_start3A_148, %dma_start3A_149] : memref<1000001x32xf32, #tpu.memory_space<hbm>> -> memref<1000001x32xf32, #tpu.memory_space<hbm>>
    tpu.enqueue_indirect_dma source(%dma_start3A_150 : memref<1000001x32xf32, #tpu.memory_space<hbm>>) target(%dma_start3A_144 : memref<50x32xf32, #tpu.memory_space<vmem>>) offsets(%dma_start3A_147 : memref<50xi32, #tpu.memory_space<vmem>>) semaphore(%arg9 : memref<!tpu.dma_semaphore, #tpu.memory_space<semaphore_mem>>)
    %dma_start3A_151 = arith.constant 12 : i32
    %dma_start3A_152 = arith.constant 12 : i32
    %dma_start3A_153 = arith.constant 0 : i32
    %dma_start3A_154 = arith.constant 0 : i32
    %dma_start3A_155 = tpu.memref_slice %arg7[%dma_start3A_152, %dma_start3A_153, %dma_start3A_154] : memref<16x50x32xf32, #tpu.memory_space<vmem>> -> memref<1x50x32xf32, #tpu.memory_space<vmem>>
    %dma_start3A_156 = tpu.memref_squeeze %dma_start3A_155 : memref<1x50x32xf32, #tpu.memory_space<vmem>> -> memref<50x32xf32, #tpu.memory_space<vmem>>
    %dma_start3A_157 = arith.constant 0 : i32
    %dma_start3A_158 = tpu.memref_slice %arg6[%dma_start3A_151, %dma_start3A_157] : memref<512x50xi32, #tpu.memory_space<vmem>> -> memref<1x50xi32, #tpu.memory_space<vmem>>
    %dma_start3A_159 = tpu.memref_squeeze %dma_start3A_158 : memref<1x50xi32, #tpu.memory_space<vmem>> -> memref<50xi32, #tpu.memory_space<vmem>>
    %dma_start3A_160 = arith.constant 0 : i32
    %dma_start3A_161 = arith.constant 0 : i32
    %dma_start3A_162 = tpu.memref_slice %arg3[%dma_start3A_160, %dma_start3A_161] : memref<1000001x32xf32, #tpu.memory_space<hbm>> -> memref<1000001x32xf32, #tpu.memory_space<hbm>>
    tpu.enqueue_indirect_dma source(%dma_start3A_162 : memref<1000001x32xf32, #tpu.memory_space<hbm>>) target(%dma_start3A_156 : memref<50x32xf32, #tpu.memory_space<vmem>>) offsets(%dma_start3A_159 : memref<50xi32, #tpu.memory_space<vmem>>) semaphore(%arg9 : memref<!tpu.dma_semaphore, #tpu.memory_space<semaphore_mem>>)
    %dma_start3A_163 = arith.constant 13 : i32
    %dma_start3A_164 = arith.constant 13 : i32
    %dma_start3A_165 = arith.constant 0 : i32
    %dma_start3A_166 = arith.constant 0 : i32
    %dma_start3A_167 = tpu.memref_slice %arg7[%dma_start3A_164, %dma_start3A_165, %dma_start3A_166] : memref<16x50x32xf32, #tpu.memory_space<vmem>> -> memref<1x50x32xf32, #tpu.memory_space<vmem>>
    %dma_start3A_168 = tpu.memref_squeeze %dma_start3A_167 : memref<1x50x32xf32, #tpu.memory_space<vmem>> -> memref<50x32xf32, #tpu.memory_space<vmem>>
    %dma_start3A_169 = arith.constant 0 : i32
    %dma_start3A_170 = tpu.memref_slice %arg6[%dma_start3A_163, %dma_start3A_169] : memref<512x50xi32, #tpu.memory_space<vmem>> -> memref<1x50xi32, #tpu.memory_space<vmem>>
    %dma_start3A_171 = tpu.memref_squeeze %dma_start3A_170 : memref<1x50xi32, #tpu.memory_space<vmem>> -> memref<50xi32, #tpu.memory_space<vmem>>
    %dma_start3A_172 = arith.constant 0 : i32
    %dma_start3A_173 = arith.constant 0 : i32
    %dma_start3A_174 = tpu.memref_slice %arg3[%dma_start3A_172, %dma_start3A_173] : memref<1000001x32xf32, #tpu.memory_space<hbm>> -> memref<1000001x32xf32, #tpu.memory_space<hbm>>
    tpu.enqueue_indirect_dma source(%dma_start3A_174 : memref<1000001x32xf32, #tpu.memory_space<hbm>>) target(%dma_start3A_168 : memref<50x32xf32, #tpu.memory_space<vmem>>) offsets(%dma_start3A_171 : memref<50xi32, #tpu.memory_space<vmem>>) semaphore(%arg9 : memref<!tpu.dma_semaphore, #tpu.memory_space<semaphore_mem>>)
    %dma_start3A_175 = arith.constant 14 : i32
    %dma_start3A_176 = arith.constant 14 : i32
    %dma_start3A_177 = arith.constant 0 : i32
    %dma_start3A_178 = arith.constant 0 : i32
    %dma_start3A_179 = tpu.memref_slice %arg7[%dma_start3A_176, %dma_start3A_177, %dma_start3A_178] : memref<16x50x32xf32, #tpu.memory_space<vmem>> -> memref<1x50x32xf32, #tpu.memory_space<vmem>>
    %dma_start3A_180 = tpu.memref_squeeze %dma_start3A_179 : memref<1x50x32xf32, #tpu.memory_space<vmem>> -> memref<50x32xf32, #tpu.memory_space<vmem>>
    %dma_start3A_181 = arith.constant 0 : i32
    %dma_start3A_182 = tpu.memref_slice %arg6[%dma_start3A_175, %dma_start3A_181] : memref<512x50xi32, #tpu.memory_space<vmem>> -> memref<1x50xi32, #tpu.memory_space<vmem>>
    %dma_start3A_183 = tpu.memref_squeeze %dma_start3A_182 : memref<1x50xi32, #tpu.memory_space<vmem>> -> memref<50xi32, #tpu.memory_space<vmem>>
    %dma_start3A_184 = arith.constant 0 : i32
    %dma_start3A_185 = arith.constant 0 : i32
    %dma_start3A_186 = tpu.memref_slice %arg3[%dma_start3A_184, %dma_start3A_185] : memref<1000001x32xf32, #tpu.memory_space<hbm>> -> memref<1000001x32xf32, #tpu.memory_space<hbm>>
    tpu.enqueue_indirect_dma source(%dma_start3A_186 : memref<1000001x32xf32, #tpu.memory_space<hbm>>) target(%dma_start3A_180 : memref<50x32xf32, #tpu.memory_space<vmem>>) offsets(%dma_start3A_183 : memref<50xi32, #tpu.memory_space<vmem>>) semaphore(%arg9 : memref<!tpu.dma_semaphore, #tpu.memory_space<semaphore_mem>>)
    %dma_start3A_187 = arith.constant 15 : i32
    %dma_start3A_188 = arith.constant 15 : i32
    %dma_start3A_189 = arith.constant 0 : i32
    %dma_start3A_190 = arith.constant 0 : i32
    %dma_start3A_191 = tpu.memref_slice %arg7[%dma_start3A_188, %dma_start3A_189, %dma_start3A_190] : memref<16x50x32xf32, #tpu.memory_space<vmem>> -> memref<1x50x32xf32, #tpu.memory_space<vmem>>
    %dma_start3A_192 = tpu.memref_squeeze %dma_start3A_191 : memref<1x50x32xf32, #tpu.memory_space<vmem>> -> memref<50x32xf32, #tpu.memory_space<vmem>>
    %dma_start3A_193 = arith.constant 0 : i32
    %dma_start3A_194 = tpu.memref_slice %arg6[%dma_start3A_187, %dma_start3A_193] : memref<512x50xi32, #tpu.memory_space<vmem>> -> memref<1x50xi32, #tpu.memory_space<vmem>>
    %dma_start3A_195 = tpu.memref_squeeze %dma_start3A_194 : memref<1x50xi32, #tpu.memory_space<vmem>> -> memref<50xi32, #tpu.memory_space<vmem>>
    %dma_start3A_196 = arith.constant 0 : i32
    %dma_start3A_197 = arith.constant 0 : i32
    %dma_start3A_198 = tpu.memref_slice %arg3[%dma_start3A_196, %dma_start3A_197] : memref<1000001x32xf32, #tpu.memory_space<hbm>> -> memref<1000001x32xf32, #tpu.memory_space<hbm>>
    tpu.enqueue_indirect_dma source(%dma_start3A_198 : memref<1000001x32xf32, #tpu.memory_space<hbm>>) target(%dma_start3A_192 : memref<50x32xf32, #tpu.memory_space<vmem>>) offsets(%dma_start3A_195 : memref<50xi32, #tpu.memory_space<vmem>>) semaphore(%arg9 : memref<!tpu.dma_semaphore, #tpu.memory_space<semaphore_mem>>)
    %scan3A_199 = arith.constant 0 : i32
    %scan3A_200 = arith.constant 0 : i32
    %scan3A_201 = arith.constant 16 : i32
    %scan3A_202 = arith.addi %scan3A_200, %scan3A_201 : i32
    %scan3A_203 = arith.constant 1 : i32
    scf.for %scan3A_216 = %scan3A_200 to %scan3A_202 step %scan3A_203  : i32 {
      %mul3A_217 = arith.constant 2 : i32
      %mul3A_218 = arith.muli %mul3A_217, %scan3A_216 : i32
      %add3A_219 = arith.constant 1 : i32
      %add3A_220 = arith.addi %mul3A_218, %add3A_219 : i32
      %gt3A = arith.constant 0 : i32
      %gt3A_221 = arith.cmpi sgt, %scan3A_216, %gt3A : i32
      %convert_element_type3A = arith.extui %gt3A_221 : i1 to i32
      %cond3A = arith.constant 0 : i32
      %cond3A_222 = arith.cmpi ne, %convert_element_type3A, %cond3A : i32
      scf.if %cond3A_222 {
        %dma_wait3A_497 = arith.constant 0 : i32
        %dma_wait3A_498 = arith.constant 0 : i32
        %dma_wait3A_499 = tpu.memref_slice %arg4[%mul3A_2, %dma_wait3A_497, %dma_wait3A_498] : memref<16384x50x32xf32, #tpu.memory_space<hbm>> -> memref<16x50x32xf32, #tpu.memory_space<hbm>>
        %dma_wait3A_500 = arith.constant 0 : i32
        %dma_wait3A_501 = arith.constant 0 : i32
        %dma_wait3A_502 = tpu.memref_slice %arg4[%mul3A_2, %dma_wait3A_500, %dma_wait3A_501] : memref<16384x50x32xf32, #tpu.memory_space<hbm>> -> memref<16x50x32xf32, #tpu.memory_space<hbm>>
        tpu.wait_dma2 semaphore(%arg12 : memref<!tpu.dma_semaphore, #tpu.memory_space<semaphore_mem>>) src(%arg7 : memref<16x50x32xf32, #tpu.memory_space<vmem>>) dst(%dma_wait3A_502 : memref<16x50x32xf32, #tpu.memory_space<hbm>>)
      } else {
      }
      %mul3A_223 = arith.constant 16 : i32
      %mul3A_224 = arith.muli %add3A_220, %mul3A_223 : i32
      %add3A_225 = arith.constant 0 : i32
      %add3A_226 = arith.addi %mul3A_224, %add3A_225 : i32
      %dma_start3A_227 = arith.constant 0 : i32
      %dma_start3A_228 = arith.constant 0 : i32
      %dma_start3A_229 = arith.constant 0 : i32
      %dma_start3A_230 = tpu.memref_slice %arg8[%dma_start3A_227, %dma_start3A_228, %dma_start3A_229] : memref<16x50x32xf32, #tpu.memory_space<vmem>> -> memref<1x50x32xf32, #tpu.memory_space<vmem>>
      %dma_start3A_231 = tpu.memref_squeeze %dma_start3A_230 : memref<1x50x32xf32, #tpu.memory_space<vmem>> -> memref<50x32xf32, #tpu.memory_space<vmem>>
      %dma_start3A_232 = arith.constant 0 : i32
      %dma_start3A_233 = tpu.memref_slice %arg6[%add3A_226, %dma_start3A_232] : memref<512x50xi32, #tpu.memory_space<vmem>> -> memref<1x50xi32, #tpu.memory_space<vmem>>
      %dma_start3A_234 = tpu.memref_squeeze %dma_start3A_233 : memref<1x50xi32, #tpu.memory_space<vmem>> -> memref<50xi32, #tpu.memory_space<vmem>>
      %dma_start3A_235 = arith.constant 0 : i32
      %dma_start3A_236 = arith.constant 0 : i32
      %dma_start3A_237 = tpu.memref_slice %arg3[%dma_start3A_235, %dma_start3A_236] : memref<1000001x32xf32, #tpu.memory_space<hbm>> -> memref<1000001x32xf32, #tpu.memory_space<hbm>>
      tpu.enqueue_indirect_dma source(%dma_start3A_237 : memref<1000001x32xf32, #tpu.memory_space<hbm>>) target(%dma_start3A_231 : memref<50x32xf32, #tpu.memory_space<vmem>>) offsets(%dma_start3A_234 : memref<50xi32, #tpu.memory_space<vmem>>) semaphore(%arg10 : memref<!tpu.dma_semaphore, #tpu.memory_space<semaphore_mem>>)
      %mul3A_238 = arith.constant 16 : i32
      %mul3A_239 = arith.muli %add3A_220, %mul3A_238 : i32
      %add3A_240 = arith.constant 1 : i32
      %add3A_241 = arith.addi %mul3A_239, %add3A_240 : i32
      %dma_start3A_242 = arith.constant 1 : i32
      %dma_start3A_243 = arith.constant 0 : i32
      %dma_start3A_244 = arith.constant 0 : i32
      %dma_start3A_245 = tpu.memref_slice %arg8[%dma_start3A_242, %dma_start3A_243, %dma_start3A_244] : memref<16x50x32xf32, #tpu.memory_space<vmem>> -> memref<1x50x32xf32, #tpu.memory_space<vmem>>
      %dma_start3A_246 = tpu.memref_squeeze %dma_start3A_245 : memref<1x50x32xf32, #tpu.memory_space<vmem>> -> memref<50x32xf32, #tpu.memory_space<vmem>>
      %dma_start3A_247 = arith.constant 0 : i32
      %dma_start3A_248 = tpu.memref_slice %arg6[%add3A_241, %dma_start3A_247] : memref<512x50xi32, #tpu.memory_space<vmem>> -> memref<1x50xi32, #tpu.memory_space<vmem>>
      %dma_start3A_249 = tpu.memref_squeeze %dma_start3A_248 : memref<1x50xi32, #tpu.memory_space<vmem>> -> memref<50xi32, #tpu.memory_space<vmem>>
      %dma_start3A_250 = arith.constant 0 : i32
      %dma_start3A_251 = arith.constant 0 : i32
      %dma_start3A_252 = tpu.memref_slice %arg3[%dma_start3A_250, %dma_start3A_251] : memref<1000001x32xf32, #tpu.memory_space<hbm>> -> memref<1000001x32xf32, #tpu.memory_space<hbm>>
      tpu.enqueue_indirect_dma source(%dma_start3A_252 : memref<1000001x32xf32, #tpu.memory_space<hbm>>) target(%dma_start3A_246 : memref<50x32xf32, #tpu.memory_space<vmem>>) offsets(%dma_start3A_249 : memref<50xi32, #tpu.memory_space<vmem>>) semaphore(%arg10 : memref<!tpu.dma_semaphore, #tpu.memory_space<semaphore_mem>>)
      %mul3A_253 = arith.constant 16 : i32
      %mul3A_254 = arith.muli %add3A_220, %mul3A_253 : i32
      %add3A_255 = arith.constant 2 : i32
      %add3A_256 = arith.addi %mul3A_254, %add3A_255 : i32
      %dma_start3A_257 = arith.constant 2 : i32
      %dma_start3A_258 = arith.constant 0 : i32
      %dma_start3A_259 = arith.constant 0 : i32
      %dma_start3A_260 = tpu.memref_slice %arg8[%dma_start3A_257, %dma_start3A_258, %dma_start3A_259] : memref<16x50x32xf32, #tpu.memory_space<vmem>> -> memref<1x50x32xf32, #tpu.memory_space<vmem>>
      %dma_start3A_261 = tpu.memref_squeeze %dma_start3A_260 : memref<1x50x32xf32, #tpu.memory_space<vmem>> -> memref<50x32xf32, #tpu.memory_space<vmem>>
      %dma_start3A_262 = arith.constant 0 : i32
      %dma_start3A_263 = tpu.memref_slice %arg6[%add3A_256, %dma_start3A_262] : memref<512x50xi32, #tpu.memory_space<vmem>> -> memref<1x50xi32, #tpu.memory_space<vmem>>
      %dma_start3A_264 = tpu.memref_squeeze %dma_start3A_263 : memref<1x50xi32, #tpu.memory_space<vmem>> -> memref<50xi32, #tpu.memory_space<vmem>>
      %dma_start3A_265 = arith.constant 0 : i32
      %dma_start3A_266 = arith.constant 0 : i32
      %dma_start3A_267 = tpu.memref_slice %arg3[%dma_start3A_265, %dma_start3A_266] : memref<1000001x32xf32, #tpu.memory_space<hbm>> -> memref<1000001x32xf32, #tpu.memory_space<hbm>>
      tpu.enqueue_indirect_dma source(%dma_start3A_267 : memref<1000001x32xf32, #tpu.memory_space<hbm>>) target(%dma_start3A_261 : memref<50x32xf32, #tpu.memory_space<vmem>>) offsets(%dma_start3A_264 : memref<50xi32, #tpu.memory_space<vmem>>) semaphore(%arg10 : memref<!tpu.dma_semaphore, #tpu.memory_space<semaphore_mem>>)
      %mul3A_268 = arith.constant 16 : i32
      %mul3A_269 = arith.muli %add3A_220, %mul3A_268 : i32
      %add3A_270 = arith.constant 3 : i32
      %add3A_271 = arith.addi %mul3A_269, %add3A_270 : i32
      %dma_start3A_272 = arith.constant 3 : i32
      %dma_start3A_273 = arith.constant 0 : i32
      %dma_start3A_274 = arith.constant 0 : i32
      %dma_start3A_275 = tpu.memref_slice %arg8[%dma_start3A_272, %dma_start3A_273, %dma_start3A_274] : memref<16x50x32xf32, #tpu.memory_space<vmem>> -> memref<1x50x32xf32, #tpu.memory_space<vmem>>
      %dma_start3A_276 = tpu.memref_squeeze %dma_start3A_275 : memref<1x50x32xf32, #tpu.memory_space<vmem>> -> memref<50x32xf32, #tpu.memory_space<vmem>>
      %dma_start3A_277 = arith.constant 0 : i32
      %dma_start3A_278 = tpu.memref_slice %arg6[%add3A_271, %dma_start3A_277] : memref<512x50xi32, #tpu.memory_space<vmem>> -> memref<1x50xi32, #tpu.memory_space<vmem>>
      %dma_start3A_279 = tpu.memref_squeeze %dma_start3A_278 : memref<1x50xi32, #tpu.memory_space<vmem>> -> memref<50xi32, #tpu.memory_space<vmem>>
      %dma_start3A_280 = arith.constant 0 : i32
      %dma_start3A_281 = arith.constant 0 : i32
      %dma_start3A_282 = tpu.memref_slice %arg3[%dma_start3A_280, %dma_start3A_281] : memref<1000001x32xf32, #tpu.memory_space<hbm>> -> memref<1000001x32xf32, #tpu.memory_space<hbm>>
      tpu.enqueue_indirect_dma source(%dma_start3A_282 : memref<1000001x32xf32, #tpu.memory_space<hbm>>) target(%dma_start3A_276 : memref<50x32xf32, #tpu.memory_space<vmem>>) offsets(%dma_start3A_279 : memref<50xi32, #tpu.memory_space<vmem>>) semaphore(%arg10 : memref<!tpu.dma_semaphore, #tpu.memory_space<semaphore_mem>>)
      %mul3A_283 = arith.constant 16 : i32
      %mul3A_284 = arith.muli %add3A_220, %mul3A_283 : i32
      %add3A_285 = arith.constant 4 : i32
      %add3A_286 = arith.addi %mul3A_284, %add3A_285 : i32
      %dma_start3A_287 = arith.constant 4 : i32
      %dma_start3A_288 = arith.constant 0 : i32
      %dma_start3A_289 = arith.constant 0 : i32
      %dma_start3A_290 = tpu.memref_slice %arg8[%dma_start3A_287, %dma_start3A_288, %dma_start3A_289] : memref<16x50x32xf32, #tpu.memory_space<vmem>> -> memref<1x50x32xf32, #tpu.memory_space<vmem>>
      %dma_start3A_291 = tpu.memref_squeeze %dma_start3A_290 : memref<1x50x32xf32, #tpu.memory_space<vmem>> -> memref<50x32xf32, #tpu.memory_space<vmem>>
      %dma_start3A_292 = arith.constant 0 : i32
      %dma_start3A_293 = tpu.memref_slice %arg6[%add3A_286, %dma_start3A_292] : memref<512x50xi32, #tpu.memory_space<vmem>> -> memref<1x50xi32, #tpu.memory_space<vmem>>
      %dma_start3A_294 = tpu.memref_squeeze %dma_start3A_293 : memref<1x50xi32, #tpu.memory_space<vmem>> -> memref<50xi32, #tpu.memory_space<vmem>>
      %dma_start3A_295 = arith.constant 0 : i32
      %dma_start3A_296 = arith.constant 0 : i32
      %dma_start3A_297 = tpu.memref_slice %arg3[%dma_start3A_295, %dma_start3A_296] : memref<1000001x32xf32, #tpu.memory_space<hbm>> -> memref<1000001x32xf32, #tpu.memory_space<hbm>>
      tpu.enqueue_indirect_dma source(%dma_start3A_297 : memref<1000001x32xf32, #tpu.memory_space<hbm>>) target(%dma_start3A_291 : memref<50x32xf32, #tpu.memory_space<vmem>>) offsets(%dma_start3A_294 : memref<50xi32, #tpu.memory_space<vmem>>) semaphore(%arg10 : memref<!tpu.dma_semaphore, #tpu.memory_space<semaphore_mem>>)
      %mul3A_298 = arith.constant 16 : i32
      %mul3A_299 = arith.muli %add3A_220, %mul3A_298 : i32
      %add3A_300 = arith.constant 5 : i32
      %add3A_301 = arith.addi %mul3A_299, %add3A_300 : i32
      %dma_start3A_302 = arith.constant 5 : i32
      %dma_start3A_303 = arith.constant 0 : i32
      %dma_start3A_304 = arith.constant 0 : i32
      %dma_start3A_305 = tpu.memref_slice %arg8[%dma_start3A_302, %dma_start3A_303, %dma_start3A_304] : memref<16x50x32xf32, #tpu.memory_space<vmem>> -> memref<1x50x32xf32, #tpu.memory_space<vmem>>
      %dma_start3A_306 = tpu.memref_squeeze %dma_start3A_305 : memref<1x50x32xf32, #tpu.memory_space<vmem>> -> memref<50x32xf32, #tpu.memory_space<vmem>>
      %dma_start3A_307 = arith.constant 0 : i32
      %dma_start3A_308 = tpu.memref_slice %arg6[%add3A_301, %dma_start3A_307] : memref<512x50xi32, #tpu.memory_space<vmem>> -> memref<1x50xi32, #tpu.memory_space<vmem>>
      %dma_start3A_309 = tpu.memref_squeeze %dma_start3A_308 : memref<1x50xi32, #tpu.memory_space<vmem>> -> memref<50xi32, #tpu.memory_space<vmem>>
      %dma_start3A_310 = arith.constant 0 : i32
      %dma_start3A_311 = arith.constant 0 : i32
      %dma_start3A_312 = tpu.memref_slice %arg3[%dma_start3A_310, %dma_start3A_311] : memref<1000001x32xf32, #tpu.memory_space<hbm>> -> memref<1000001x32xf32, #tpu.memory_space<hbm>>
      tpu.enqueue_indirect_dma source(%dma_start3A_312 : memref<1000001x32xf32, #tpu.memory_space<hbm>>) target(%dma_start3A_306 : memref<50x32xf32, #tpu.memory_space<vmem>>) offsets(%dma_start3A_309 : memref<50xi32, #tpu.memory_space<vmem>>) semaphore(%arg10 : memref<!tpu.dma_semaphore, #tpu.memory_space<semaphore_mem>>)
      %mul3A_313 = arith.constant 16 : i32
      %mul3A_314 = arith.muli %add3A_220, %mul3A_313 : i32
      %add3A_315 = arith.constant 6 : i32
      %add3A_316 = arith.addi %mul3A_314, %add3A_315 : i32
      %dma_start3A_317 = arith.constant 6 : i32
      %dma_start3A_318 = arith.constant 0 : i32
      %dma_start3A_319 = arith.constant 0 : i32
      %dma_start3A_320 = tpu.memref_slice %arg8[%dma_start3A_317, %dma_start3A_318, %dma_start3A_319] : memref<16x50x32xf32, #tpu.memory_space<vmem>> -> memref<1x50x32xf32, #tpu.memory_space<vmem>>
      %dma_start3A_321 = tpu.memref_squeeze %dma_start3A_320 : memref<1x50x32xf32, #tpu.memory_space<vmem>> -> memref<50x32xf32, #tpu.memory_space<vmem>>
      %dma_start3A_322 = arith.constant 0 : i32
      %dma_start3A_323 = tpu.memref_slice %arg6[%add3A_316, %dma_start3A_322] : memref<512x50xi32, #tpu.memory_space<vmem>> -> memref<1x50xi32, #tpu.memory_space<vmem>>
      %dma_start3A_324 = tpu.memref_squeeze %dma_start3A_323 : memref<1x50xi32, #tpu.memory_space<vmem>> -> memref<50xi32, #tpu.memory_space<vmem>>
      %dma_start3A_325 = arith.constant 0 : i32
      %dma_start3A_326 = arith.constant 0 : i32
      %dma_start3A_327 = tpu.memref_slice %arg3[%dma_start3A_325, %dma_start3A_326] : memref<1000001x32xf32, #tpu.memory_space<hbm>> -> memref<1000001x32xf32, #tpu.memory_space<hbm>>
      tpu.enqueue_indirect_dma source(%dma_start3A_327 : memref<1000001x32xf32, #tpu.memory_space<hbm>>) target(%dma_start3A_321 : memref<50x32xf32, #tpu.memory_space<vmem>>) offsets(%dma_start3A_324 : memref<50xi32, #tpu.memory_space<vmem>>) semaphore(%arg10 : memref<!tpu.dma_semaphore, #tpu.memory_space<semaphore_mem>>)
      %mul3A_328 = arith.constant 16 : i32
      %mul3A_329 = arith.muli %add3A_220, %mul3A_328 : i32
      %add3A_330 = arith.constant 7 : i32
      %add3A_331 = arith.addi %mul3A_329, %add3A_330 : i32
      %dma_start3A_332 = arith.constant 7 : i32
      %dma_start3A_333 = arith.constant 0 : i32
      %dma_start3A_334 = arith.constant 0 : i32
      %dma_start3A_335 = tpu.memref_slice %arg8[%dma_start3A_332, %dma_start3A_333, %dma_start3A_334] : memref<16x50x32xf32, #tpu.memory_space<vmem>> -> memref<1x50x32xf32, #tpu.memory_space<vmem>>
      %dma_start3A_336 = tpu.memref_squeeze %dma_start3A_335 : memref<1x50x32xf32, #tpu.memory_space<vmem>> -> memref<50x32xf32, #tpu.memory_space<vmem>>
      %dma_start3A_337 = arith.constant 0 : i32
      %dma_start3A_338 = tpu.memref_slice %arg6[%add3A_331, %dma_start3A_337] : memref<512x50xi32, #tpu.memory_space<vmem>> -> memref<1x50xi32, #tpu.memory_space<vmem>>
      %dma_start3A_339 = tpu.memref_squeeze %dma_start3A_338 : memref<1x50xi32, #tpu.memory_space<vmem>> -> memref<50xi32, #tpu.memory_space<vmem>>
      %dma_start3A_340 = arith.constant 0 : i32
      %dma_start3A_341 = arith.constant 0 : i32
      %dma_start3A_342 = tpu.memref_slice %arg3[%dma_start3A_340, %dma_start3A_341] : memref<1000001x32xf32, #tpu.memory_space<hbm>> -> memref<1000001x32xf32, #tpu.memory_space<hbm>>
      tpu.enqueue_indirect_dma source(%dma_start3A_342 : memref<1000001x32xf32, #tpu.memory_space<hbm>>) target(%dma_start3A_336 : memref<50x32xf32, #tpu.memory_space<vmem>>) offsets(%dma_start3A_339 : memref<50xi32, #tpu.memory_space<vmem>>) semaphore(%arg10 : memref<!tpu.dma_semaphore, #tpu.memory_space<semaphore_mem>>)
      %mul3A_343 = arith.constant 16 : i32
      %mul3A_344 = arith.muli %add3A_220, %mul3A_343 : i32
      %add3A_345 = arith.constant 8 : i32
      %add3A_346 = arith.addi %mul3A_344, %add3A_345 : i32
      %dma_start3A_347 = arith.constant 8 : i32
      %dma_start3A_348 = arith.constant 0 : i32
      %dma_start3A_349 = arith.constant 0 : i32
      %dma_start3A_350 = tpu.memref_slice %arg8[%dma_start3A_347, %dma_start3A_348, %dma_start3A_349] : memref<16x50x32xf32, #tpu.memory_space<vmem>> -> memref<1x50x32xf32, #tpu.memory_space<vmem>>
      %dma_start3A_351 = tpu.memref_squeeze %dma_start3A_350 : memref<1x50x32xf32, #tpu.memory_space<vmem>> -> memref<50x32xf32, #tpu.memory_space<vmem>>
      %dma_start3A_352 = arith.constant 0 : i32
      %dma_start3A_353 = tpu.memref_slice %arg6[%add3A_346, %dma_start3A_352] : memref<512x50xi32, #tpu.memory_space<vmem>> -> memref<1x50xi32, #tpu.memory_space<vmem>>
      %dma_start3A_354 = tpu.memref_squeeze %dma_start3A_353 : memref<1x50xi32, #tpu.memory_space<vmem>> -> memref<50xi32, #tpu.memory_space<vmem>>
      %dma_start3A_355 = arith.constant 0 : i32
      %dma_start3A_356 = arith.constant 0 : i32
      %dma_start3A_357 = tpu.memref_slice %arg3[%dma_start3A_355, %dma_start3A_356] : memref<1000001x32xf32, #tpu.memory_space<hbm>> -> memref<1000001x32xf32, #tpu.memory_space<hbm>>
      tpu.enqueue_indirect_dma source(%dma_start3A_357 : memref<1000001x32xf32, #tpu.memory_space<hbm>>) target(%dma_start3A_351 : memref<50x32xf32, #tpu.memory_space<vmem>>) offsets(%dma_start3A_354 : memref<50xi32, #tpu.memory_space<vmem>>) semaphore(%arg10 : memref<!tpu.dma_semaphore, #tpu.memory_space<semaphore_mem>>)
      %mul3A_358 = arith.constant 16 : i32
      %mul3A_359 = arith.muli %add3A_220, %mul3A_358 : i32
      %add3A_360 = arith.constant 9 : i32
      %add3A_361 = arith.addi %mul3A_359, %add3A_360 : i32
      %dma_start3A_362 = arith.constant 9 : i32
      %dma_start3A_363 = arith.constant 0 : i32
      %dma_start3A_364 = arith.constant 0 : i32
      %dma_start3A_365 = tpu.memref_slice %arg8[%dma_start3A_362, %dma_start3A_363, %dma_start3A_364] : memref<16x50x32xf32, #tpu.memory_space<vmem>> -> memref<1x50x32xf32, #tpu.memory_space<vmem>>
      %dma_start3A_366 = tpu.memref_squeeze %dma_start3A_365 : memref<1x50x32xf32, #tpu.memory_space<vmem>> -> memref<50x32xf32, #tpu.memory_space<vmem>>
      %dma_start3A_367 = arith.constant 0 : i32
      %dma_start3A_368 = tpu.memref_slice %arg6[%add3A_361, %dma_start3A_367] : memref<512x50xi32, #tpu.memory_space<vmem>> -> memref<1x50xi32, #tpu.memory_space<vmem>>
      %dma_start3A_369 = tpu.memref_squeeze %dma_start3A_368 : memref<1x50xi32, #tpu.memory_space<vmem>> -> memref<50xi32, #tpu.memory_space<vmem>>
      %dma_start3A_370 = arith.constant 0 : i32
      %dma_start3A_371 = arith.constant 0 : i32
      %dma_start3A_372 = tpu.memref_slice %arg3[%dma_start3A_370, %dma_start3A_371] : memref<1000001x32xf32, #tpu.memory_space<hbm>> -> memref<1000001x32xf32, #tpu.memory_space<hbm>>
      tpu.enqueue_indirect_dma source(%dma_start3A_372 : memref<1000001x32xf32, #tpu.memory_space<hbm>>) target(%dma_start3A_366 : memref<50x32xf32, #tpu.memory_space<vmem>>) offsets(%dma_start3A_369 : memref<50xi32, #tpu.memory_space<vmem>>) semaphore(%arg10 : memref<!tpu.dma_semaphore, #tpu.memory_space<semaphore_mem>>)
      %mul3A_373 = arith.constant 16 : i32
      %mul3A_374 = arith.muli %add3A_220, %mul3A_373 : i32
      %add3A_375 = arith.constant 10 : i32
      %add3A_376 = arith.addi %mul3A_374, %add3A_375 : i32
      %dma_start3A_377 = arith.constant 10 : i32
      %dma_start3A_378 = arith.constant 0 : i32
      %dma_start3A_379 = arith.constant 0 : i32
      %dma_start3A_380 = tpu.memref_slice %arg8[%dma_start3A_377, %dma_start3A_378, %dma_start3A_379] : memref<16x50x32xf32, #tpu.memory_space<vmem>> -> memref<1x50x32xf32, #tpu.memory_space<vmem>>
      %dma_start3A_381 = tpu.memref_squeeze %dma_start3A_380 : memref<1x50x32xf32, #tpu.memory_space<vmem>> -> memref<50x32xf32, #tpu.memory_space<vmem>>
      %dma_start3A_382 = arith.constant 0 : i32
      %dma_start3A_383 = tpu.memref_slice %arg6[%add3A_376, %dma_start3A_382] : memref<512x50xi32, #tpu.memory_space<vmem>> -> memref<1x50xi32, #tpu.memory_space<vmem>>
      %dma_start3A_384 = tpu.memref_squeeze %dma_start3A_383 : memref<1x50xi32, #tpu.memory_space<vmem>> -> memref<50xi32, #tpu.memory_space<vmem>>
      %dma_start3A_385 = arith.constant 0 : i32
      %dma_start3A_386 = arith.constant 0 : i32
      %dma_start3A_387 = tpu.memref_slice %arg3[%dma_start3A_385, %dma_start3A_386] : memref<1000001x32xf32, #tpu.memory_space<hbm>> -> memref<1000001x32xf32, #tpu.memory_space<hbm>>
      tpu.enqueue_indirect_dma source(%dma_start3A_387 : memref<1000001x32xf32, #tpu.memory_space<hbm>>) target(%dma_start3A_381 : memref<50x32xf32, #tpu.memory_space<vmem>>) offsets(%dma_start3A_384 : memref<50xi32, #tpu.memory_space<vmem>>) semaphore(%arg10 : memref<!tpu.dma_semaphore, #tpu.memory_space<semaphore_mem>>)
      %mul3A_388 = arith.constant 16 : i32
      %mul3A_389 = arith.muli %add3A_220, %mul3A_388 : i32
      %add3A_390 = arith.constant 11 : i32
      %add3A_391 = arith.addi %mul3A_389, %add3A_390 : i32
      %dma_start3A_392 = arith.constant 11 : i32
      %dma_start3A_393 = arith.constant 0 : i32
      %dma_start3A_394 = arith.constant 0 : i32
      %dma_start3A_395 = tpu.memref_slice %arg8[%dma_start3A_392, %dma_start3A_393, %dma_start3A_394] : memref<16x50x32xf32, #tpu.memory_space<vmem>> -> memref<1x50x32xf32, #tpu.memory_space<vmem>>
      %dma_start3A_396 = tpu.memref_squeeze %dma_start3A_395 : memref<1x50x32xf32, #tpu.memory_space<vmem>> -> memref<50x32xf32, #tpu.memory_space<vmem>>
      %dma_start3A_397 = arith.constant 0 : i32
      %dma_start3A_398 = tpu.memref_slice %arg6[%add3A_391, %dma_start3A_397] : memref<512x50xi32, #tpu.memory_space<vmem>> -> memref<1x50xi32, #tpu.memory_space<vmem>>
      %dma_start3A_399 = tpu.memref_squeeze %dma_start3A_398 : memref<1x50xi32, #tpu.memory_space<vmem>> -> memref<50xi32, #tpu.memory_space<vmem>>
      %dma_start3A_400 = arith.constant 0 : i32
      %dma_start3A_401 = arith.constant 0 : i32
      %dma_start3A_402 = tpu.memref_slice %arg3[%dma_start3A_400, %dma_start3A_401] : memref<1000001x32xf32, #tpu.memory_space<hbm>> -> memref<1000001x32xf32, #tpu.memory_space<hbm>>
      tpu.enqueue_indirect_dma source(%dma_start3A_402 : memref<1000001x32xf32, #tpu.memory_space<hbm>>) target(%dma_start3A_396 : memref<50x32xf32, #tpu.memory_space<vmem>>) offsets(%dma_start3A_399 : memref<50xi32, #tpu.memory_space<vmem>>) semaphore(%arg10 : memref<!tpu.dma_semaphore, #tpu.memory_space<semaphore_mem>>)
      %mul3A_403 = arith.constant 16 : i32
      %mul3A_404 = arith.muli %add3A_220, %mul3A_403 : i32
      %add3A_405 = arith.constant 12 : i32
      %add3A_406 = arith.addi %mul3A_404, %add3A_405 : i32
      %dma_start3A_407 = arith.constant 12 : i32
      %dma_start3A_408 = arith.constant 0 : i32
      %dma_start3A_409 = arith.constant 0 : i32
      %dma_start3A_410 = tpu.memref_slice %arg8[%dma_start3A_407, %dma_start3A_408, %dma_start3A_409] : memref<16x50x32xf32, #tpu.memory_space<vmem>> -> memref<1x50x32xf32, #tpu.memory_space<vmem>>
      %dma_start3A_411 = tpu.memref_squeeze %dma_start3A_410 : memref<1x50x32xf32, #tpu.memory_space<vmem>> -> memref<50x32xf32, #tpu.memory_space<vmem>>
      %dma_start3A_412 = arith.constant 0 : i32
      %dma_start3A_413 = tpu.memref_slice %arg6[%add3A_406, %dma_start3A_412] : memref<512x50xi32, #tpu.memory_space<vmem>> -> memref<1x50xi32, #tpu.memory_space<vmem>>
      %dma_start3A_414 = tpu.memref_squeeze %dma_start3A_413 : memref<1x50xi32, #tpu.memory_space<vmem>> -> memref<50xi32, #tpu.memory_space<vmem>>
      %dma_start3A_415 = arith.constant 0 : i32
      %dma_start3A_416 = arith.constant 0 : i32
      %dma_start3A_417 = tpu.memref_slice %arg3[%dma_start3A_415, %dma_start3A_416] : memref<1000001x32xf32, #tpu.memory_space<hbm>> -> memref<1000001x32xf32, #tpu.memory_space<hbm>>
      tpu.enqueue_indirect_dma source(%dma_start3A_417 : memref<1000001x32xf32, #tpu.memory_space<hbm>>) target(%dma_start3A_411 : memref<50x32xf32, #tpu.memory_space<vmem>>) offsets(%dma_start3A_414 : memref<50xi32, #tpu.memory_space<vmem>>) semaphore(%arg10 : memref<!tpu.dma_semaphore, #tpu.memory_space<semaphore_mem>>)
      %mul3A_418 = arith.constant 16 : i32
      %mul3A_419 = arith.muli %add3A_220, %mul3A_418 : i32
      %add3A_420 = arith.constant 13 : i32
      %add3A_421 = arith.addi %mul3A_419, %add3A_420 : i32
      %dma_start3A_422 = arith.constant 13 : i32
      %dma_start3A_423 = arith.constant 0 : i32
      %dma_start3A_424 = arith.constant 0 : i32
      %dma_start3A_425 = tpu.memref_slice %arg8[%dma_start3A_422, %dma_start3A_423, %dma_start3A_424] : memref<16x50x32xf32, #tpu.memory_space<vmem>> -> memref<1x50x32xf32, #tpu.memory_space<vmem>>
      %dma_start3A_426 = tpu.memref_squeeze %dma_start3A_425 : memref<1x50x32xf32, #tpu.memory_space<vmem>> -> memref<50x32xf32, #tpu.memory_space<vmem>>
      %dma_start3A_427 = arith.constant 0 : i32
      %dma_start3A_428 = tpu.memref_slice %arg6[%add3A_421, %dma_start3A_427] : memref<512x50xi32, #tpu.memory_space<vmem>> -> memref<1x50xi32, #tpu.memory_space<vmem>>
      %dma_start3A_429 = tpu.memref_squeeze %dma_start3A_428 : memref<1x50xi32, #tpu.memory_space<vmem>> -> memref<50xi32, #tpu.memory_space<vmem>>
      %dma_start3A_430 = arith.constant 0 : i32
      %dma_start3A_431 = arith.constant 0 : i32
      %dma_start3A_432 = tpu.memref_slice %arg3[%dma_start3A_430, %dma_start3A_431] : memref<1000001x32xf32, #tpu.memory_space<hbm>> -> memref<1000001x32xf32, #tpu.memory_space<hbm>>
      tpu.enqueue_indirect_dma source(%dma_start3A_432 : memref<1000001x32xf32, #tpu.memory_space<hbm>>) target(%dma_start3A_426 : memref<50x32xf32, #tpu.memory_space<vmem>>) offsets(%dma_start3A_429 : memref<50xi32, #tpu.memory_space<vmem>>) semaphore(%arg10 : memref<!tpu.dma_semaphore, #tpu.memory_space<semaphore_mem>>)
      %mul3A_433 = arith.constant 16 : i32
      %mul3A_434 = arith.muli %add3A_220, %mul3A_433 : i32
      %add3A_435 = arith.constant 14 : i32
      %add3A_436 = arith.addi %mul3A_434, %add3A_435 : i32
      %dma_start3A_437 = arith.constant 14 : i32
      %dma_start3A_438 = arith.constant 0 : i32
      %dma_start3A_439 = arith.constant 0 : i32
      %dma_start3A_440 = tpu.memref_slice %arg8[%dma_start3A_437, %dma_start3A_438, %dma_start3A_439] : memref<16x50x32xf32, #tpu.memory_space<vmem>> -> memref<1x50x32xf32, #tpu.memory_space<vmem>>
      %dma_start3A_441 = tpu.memref_squeeze %dma_start3A_440 : memref<1x50x32xf32, #tpu.memory_space<vmem>> -> memref<50x32xf32, #tpu.memory_space<vmem>>
      %dma_start3A_442 = arith.constant 0 : i32
      %dma_start3A_443 = tpu.memref_slice %arg6[%add3A_436, %dma_start3A_442] : memref<512x50xi32, #tpu.memory_space<vmem>> -> memref<1x50xi32, #tpu.memory_space<vmem>>
      %dma_start3A_444 = tpu.memref_squeeze %dma_start3A_443 : memref<1x50xi32, #tpu.memory_space<vmem>> -> memref<50xi32, #tpu.memory_space<vmem>>
      %dma_start3A_445 = arith.constant 0 : i32
      %dma_start3A_446 = arith.constant 0 : i32
      %dma_start3A_447 = tpu.memref_slice %arg3[%dma_start3A_445, %dma_start3A_446] : memref<1000001x32xf32, #tpu.memory_space<hbm>> -> memref<1000001x32xf32, #tpu.memory_space<hbm>>
      tpu.enqueue_indirect_dma source(%dma_start3A_447 : memref<1000001x32xf32, #tpu.memory_space<hbm>>) target(%dma_start3A_441 : memref<50x32xf32, #tpu.memory_space<vmem>>) offsets(%dma_start3A_444 : memref<50xi32, #tpu.memory_space<vmem>>) semaphore(%arg10 : memref<!tpu.dma_semaphore, #tpu.memory_space<semaphore_mem>>)
      %mul3A_448 = arith.constant 16 : i32
      %mul3A_449 = arith.muli %add3A_220, %mul3A_448 : i32
      %add3A_450 = arith.constant 15 : i32
      %add3A_451 = arith.addi %mul3A_449, %add3A_450 : i32
      %dma_start3A_452 = arith.constant 15 : i32
      %dma_start3A_453 = arith.constant 0 : i32
      %dma_start3A_454 = arith.constant 0 : i32
      %dma_start3A_455 = tpu.memref_slice %arg8[%dma_start3A_452, %dma_start3A_453, %dma_start3A_454] : memref<16x50x32xf32, #tpu.memory_space<vmem>> -> memref<1x50x32xf32, #tpu.memory_space<vmem>>
      %dma_start3A_456 = tpu.memref_squeeze %dma_start3A_455 : memref<1x50x32xf32, #tpu.memory_space<vmem>> -> memref<50x32xf32, #tpu.memory_space<vmem>>
      %dma_start3A_457 = arith.constant 0 : i32
      %dma_start3A_458 = tpu.memref_slice %arg6[%add3A_451, %dma_start3A_457] : memref<512x50xi32, #tpu.memory_space<vmem>> -> memref<1x50xi32, #tpu.memory_space<vmem>>
      %dma_start3A_459 = tpu.memref_squeeze %dma_start3A_458 : memref<1x50xi32, #tpu.memory_space<vmem>> -> memref<50xi32, #tpu.memory_space<vmem>>
      %dma_start3A_460 = arith.constant 0 : i32
      %dma_start3A_461 = arith.constant 0 : i32
      %dma_start3A_462 = tpu.memref_slice %arg3[%dma_start3A_460, %dma_start3A_461] : memref<1000001x32xf32, #tpu.memory_space<hbm>> -> memref<1000001x32xf32, #tpu.memory_space<hbm>>
      tpu.enqueue_indirect_dma source(%dma_start3A_462 : memref<1000001x32xf32, #tpu.memory_space<hbm>>) target(%dma_start3A_456 : memref<50x32xf32, #tpu.memory_space<vmem>>) offsets(%dma_start3A_459 : memref<50xi32, #tpu.memory_space<vmem>>) semaphore(%arg10 : memref<!tpu.dma_semaphore, #tpu.memory_space<semaphore_mem>>)
      %dma_wait3A_463 = arith.constant 0 : i32
      %dma_wait3A_464 = arith.constant 0 : i32
      %dma_wait3A_465 = tpu.memref_slice %arg4[%mul3A_2, %dma_wait3A_463, %dma_wait3A_464] : memref<16384x50x32xf32, #tpu.memory_space<hbm>> -> memref<16x50x32xf32, #tpu.memory_space<hbm>>
      %dma_wait3A_466 = arith.constant 0 : i32
      %dma_wait3A_467 = arith.constant 0 : i32
      %dma_wait3A_468 = tpu.memref_slice %arg4[%mul3A_2, %dma_wait3A_466, %dma_wait3A_467] : memref<16384x50x32xf32, #tpu.memory_space<hbm>> -> memref<16x50x32xf32, #tpu.memory_space<hbm>>
      tpu.wait_dma2 semaphore(%arg9 : memref<!tpu.dma_semaphore, #tpu.memory_space<semaphore_mem>>) src(%dma_wait3A_468 : memref<16x50x32xf32, #tpu.memory_space<hbm>>) dst(%arg7 : memref<16x50x32xf32, #tpu.memory_space<vmem>>)
      %mul3A_469 = arith.constant 16 : i32
      %mul3A_470 = arith.muli %mul3A_218, %mul3A_469 : i32
      %add3A_471 = arith.addi %mul3A_2, %mul3A_470 : i32
      %dma_start3A_472 = arith.constant 0 : i32
      %dma_start3A_473 = arith.constant 0 : i32
      %dma_start3A_474 = tpu.memref_slice %arg4[%add3A_471, %dma_start3A_472, %dma_start3A_473] : memref<16384x50x32xf32, #tpu.memory_space<hbm>> -> memref<16x50x32xf32, #tpu.memory_space<hbm>>
      %dma_start3A_475 = arith.constant 0 : i32
      %dma_start3A_476 = arith.constant 0 : i32
      %dma_start3A_477 = tpu.memref_slice %arg4[%add3A_471, %dma_start3A_475, %dma_start3A_476] : memref<16384x50x32xf32, #tpu.memory_space<hbm>> -> memref<16x50x32xf32, #tpu.memory_space<hbm>>
      tpu.enqueue_dma source(%arg7 : memref<16x50x32xf32, #tpu.memory_space<vmem>>) target(%dma_start3A_477 : memref<16x50x32xf32, #tpu.memory_space<hbm>>) target_semaphore(%arg11 : memref<!tpu.dma_semaphore, #tpu.memory_space<semaphore_mem>>)
      %lt3A = arith.constant 15 : i32
      %lt3A_478 = arith.cmpi slt, %scan3A_216, %lt3A : i32
      %convert_element_type3A_479 = arith.extui %lt3A_478 : i1 to i32
      %cond3A_480 = arith.constant 0 : i32
      %cond3A_481 = arith.cmpi ne, %convert_element_type3A_479, %cond3A_480 : i32
      scf.if %cond3A_481 {
        %dma_wait3A_497 = arith.constant 0 : i32
        %dma_wait3A_498 = arith.constant 0 : i32
        %dma_wait3A_499 = tpu.memref_slice %arg4[%mul3A_2, %dma_wait3A_497, %dma_wait3A_498] : memref<16384x50x32xf32, #tpu.memory_space<hbm>> -> memref<16x50x32xf32, #tpu.memory_space<hbm>>
        %dma_wait3A_500 = arith.constant 0 : i32
        %dma_wait3A_501 = arith.constant 0 : i32
        %dma_wait3A_502 = tpu.memref_slice %arg4[%mul3A_2, %dma_wait3A_500, %dma_wait3A_501] : memref<16384x50x32xf32, #tpu.memory_space<hbm>> -> memref<16x50x32xf32, #tpu.memory_space<hbm>>
        tpu.wait_dma2 semaphore(%arg11 : memref<!tpu.dma_semaphore, #tpu.memory_space<semaphore_mem>>) src(%arg7 : memref<16x50x32xf32, #tpu.memory_space<vmem>>) dst(%dma_wait3A_502 : memref<16x50x32xf32, #tpu.memory_space<hbm>>)
        %add3A_503 = arith.constant 2 : i32
        %add3A_504 = arith.addi %mul3A_218, %add3A_503 : i32
        %mul3A_505 = arith.constant 16 : i32
        %mul3A_506 = arith.muli %add3A_504, %mul3A_505 : i32
        %add3A_507 = arith.constant 0 : i32
        %add3A_508 = arith.addi %mul3A_506, %add3A_507 : i32
        %dma_start3A_509 = arith.constant 0 : i32
        %dma_start3A_510 = arith.constant 0 : i32
        %dma_start3A_511 = arith.constant 0 : i32
        %dma_start3A_512 = tpu.memref_slice %arg7[%dma_start3A_509, %dma_start3A_510, %dma_start3A_511] : memref<16x50x32xf32, #tpu.memory_space<vmem>> -> memref<1x50x32xf32, #tpu.memory_space<vmem>>
        %dma_start3A_513 = tpu.memref_squeeze %dma_start3A_512 : memref<1x50x32xf32, #tpu.memory_space<vmem>> -> memref<50x32xf32, #tpu.memory_space<vmem>>
        %dma_start3A_514 = arith.constant 0 : i32
        %dma_start3A_515 = tpu.memref_slice %arg6[%add3A_508, %dma_start3A_514] : memref<512x50xi32, #tpu.memory_space<vmem>> -> memref<1x50xi32, #tpu.memory_space<vmem>>
        %dma_start3A_516 = tpu.memref_squeeze %dma_start3A_515 : memref<1x50xi32, #tpu.memory_space<vmem>> -> memref<50xi32, #tpu.memory_space<vmem>>
        %dma_start3A_517 = arith.constant 0 : i32
        %dma_start3A_518 = arith.constant 0 : i32
        %dma_start3A_519 = tpu.memref_slice %arg3[%dma_start3A_517, %dma_start3A_518] : memref<1000001x32xf32, #tpu.memory_space<hbm>> -> memref<1000001x32xf32, #tpu.memory_space<hbm>>
        tpu.enqueue_indirect_dma source(%dma_start3A_519 : memref<1000001x32xf32, #tpu.memory_space<hbm>>) target(%dma_start3A_513 : memref<50x32xf32, #tpu.memory_space<vmem>>) offsets(%dma_start3A_516 : memref<50xi32, #tpu.memory_space<vmem>>) semaphore(%arg9 : memref<!tpu.dma_semaphore, #tpu.memory_space<semaphore_mem>>)
        %mul3A_520 = arith.constant 16 : i32
        %mul3A_521 = arith.muli %add3A_504, %mul3A_520 : i32
        %add3A_522 = arith.constant 1 : i32
        %add3A_523 = arith.addi %mul3A_521, %add3A_522 : i32
        %dma_start3A_524 = arith.constant 1 : i32
        %dma_start3A_525 = arith.constant 0 : i32
        %dma_start3A_526 = arith.constant 0 : i32
        %dma_start3A_527 = tpu.memref_slice %arg7[%dma_start3A_524, %dma_start3A_525, %dma_start3A_526] : memref<16x50x32xf32, #tpu.memory_space<vmem>> -> memref<1x50x32xf32, #tpu.memory_space<vmem>>
        %dma_start3A_528 = tpu.memref_squeeze %dma_start3A_527 : memref<1x50x32xf32, #tpu.memory_space<vmem>> -> memref<50x32xf32, #tpu.memory_space<vmem>>
        %dma_start3A_529 = arith.constant 0 : i32
        %dma_start3A_530 = tpu.memref_slice %arg6[%add3A_523, %dma_start3A_529] : memref<512x50xi32, #tpu.memory_space<vmem>> -> memref<1x50xi32, #tpu.memory_space<vmem>>
        %dma_start3A_531 = tpu.memref_squeeze %dma_start3A_530 : memref<1x50xi32, #tpu.memory_space<vmem>> -> memref<50xi32, #tpu.memory_space<vmem>>
        %dma_start3A_532 = arith.constant 0 : i32
        %dma_start3A_533 = arith.constant 0 : i32
        %dma_start3A_534 = tpu.memref_slice %arg3[%dma_start3A_532, %dma_start3A_533] : memref<1000001x32xf32, #tpu.memory_space<hbm>> -> memref<1000001x32xf32, #tpu.memory_space<hbm>>
        tpu.enqueue_indirect_dma source(%dma_start3A_534 : memref<1000001x32xf32, #tpu.memory_space<hbm>>) target(%dma_start3A_528 : memref<50x32xf32, #tpu.memory_space<vmem>>) offsets(%dma_start3A_531 : memref<50xi32, #tpu.memory_space<vmem>>) semaphore(%arg9 : memref<!tpu.dma_semaphore, #tpu.memory_space<semaphore_mem>>)
        %mul3A_535 = arith.constant 16 : i32
        %mul3A_536 = arith.muli %add3A_504, %mul3A_535 : i32
        %add3A_537 = arith.constant 2 : i32
        %add3A_538 = arith.addi %mul3A_536, %add3A_537 : i32
        %dma_start3A_539 = arith.constant 2 : i32
        %dma_start3A_540 = arith.constant 0 : i32
        %dma_start3A_541 = arith.constant 0 : i32
        %dma_start3A_542 = tpu.memref_slice %arg7[%dma_start3A_539, %dma_start3A_540, %dma_start3A_541] : memref<16x50x32xf32, #tpu.memory_space<vmem>> -> memref<1x50x32xf32, #tpu.memory_space<vmem>>
        %dma_start3A_543 = tpu.memref_squeeze %dma_start3A_542 : memref<1x50x32xf32, #tpu.memory_space<vmem>> -> memref<50x32xf32, #tpu.memory_space<vmem>>
        %dma_start3A_544 = arith.constant 0 : i32
        %dma_start3A_545 = tpu.memref_slice %arg6[%add3A_538, %dma_start3A_544] : memref<512x50xi32, #tpu.memory_space<vmem>> -> memref<1x50xi32, #tpu.memory_space<vmem>>
        %dma_start3A_546 = tpu.memref_squeeze %dma_start3A_545 : memref<1x50xi32, #tpu.memory_space<vmem>> -> memref<50xi32, #tpu.memory_space<vmem>>
        %dma_start3A_547 = arith.constant 0 : i32
        %dma_start3A_548 = arith.constant 0 : i32
        %dma_start3A_549 = tpu.memref_slice %arg3[%dma_start3A_547, %dma_start3A_548] : memref<1000001x32xf32, #tpu.memory_space<hbm>> -> memref<1000001x32xf32, #tpu.memory_space<hbm>>
        tpu.enqueue_indirect_dma source(%dma_start3A_549 : memref<1000001x32xf32, #tpu.memory_space<hbm>>) target(%dma_start3A_543 : memref<50x32xf32, #tpu.memory_space<vmem>>) offsets(%dma_start3A_546 : memref<50xi32, #tpu.memory_space<vmem>>) semaphore(%arg9 : memref<!tpu.dma_semaphore, #tpu.memory_space<semaphore_mem>>)
        %mul3A_550 = arith.constant 16 : i32
        %mul3A_551 = arith.muli %add3A_504, %mul3A_550 : i32
        %add3A_552 = arith.constant 3 : i32
        %add3A_553 = arith.addi %mul3A_551, %add3A_552 : i32
        %dma_start3A_554 = arith.constant 3 : i32
        %dma_start3A_555 = arith.constant 0 : i32
        %dma_start3A_556 = arith.constant 0 : i32
        %dma_start3A_557 = tpu.memref_slice %arg7[%dma_start3A_554, %dma_start3A_555, %dma_start3A_556] : memref<16x50x32xf32, #tpu.memory_space<vmem>> -> memref<1x50x32xf32, #tpu.memory_space<vmem>>
        %dma_start3A_558 = tpu.memref_squeeze %dma_start3A_557 : memref<1x50x32xf32, #tpu.memory_space<vmem>> -> memref<50x32xf32, #tpu.memory_space<vmem>>
        %dma_start3A_559 = arith.constant 0 : i32
        %dma_start3A_560 = tpu.memref_slice %arg6[%add3A_553, %dma_start3A_559] : memref<512x50xi32, #tpu.memory_space<vmem>> -> memref<1x50xi32, #tpu.memory_space<vmem>>
        %dma_start3A_561 = tpu.memref_squeeze %dma_start3A_560 : memref<1x50xi32, #tpu.memory_space<vmem>> -> memref<50xi32, #tpu.memory_space<vmem>>
        %dma_start3A_562 = arith.constant 0 : i32
        %dma_start3A_563 = arith.constant 0 : i32
        %dma_start3A_564 = tpu.memref_slice %arg3[%dma_start3A_562, %dma_start3A_563] : memref<1000001x32xf32, #tpu.memory_space<hbm>> -> memref<1000001x32xf32, #tpu.memory_space<hbm>>
        tpu.enqueue_indirect_dma source(%dma_start3A_564 : memref<1000001x32xf32, #tpu.memory_space<hbm>>) target(%dma_start3A_558 : memref<50x32xf32, #tpu.memory_space<vmem>>) offsets(%dma_start3A_561 : memref<50xi32, #tpu.memory_space<vmem>>) semaphore(%arg9 : memref<!tpu.dma_semaphore, #tpu.memory_space<semaphore_mem>>)
        %mul3A_565 = arith.constant 16 : i32
        %mul3A_566 = arith.muli %add3A_504, %mul3A_565 : i32
        %add3A_567 = arith.constant 4 : i32
        %add3A_568 = arith.addi %mul3A_566, %add3A_567 : i32
        %dma_start3A_569 = arith.constant 4 : i32
        %dma_start3A_570 = arith.constant 0 : i32
        %dma_start3A_571 = arith.constant 0 : i32
        %dma_start3A_572 = tpu.memref_slice %arg7[%dma_start3A_569, %dma_start3A_570, %dma_start3A_571] : memref<16x50x32xf32, #tpu.memory_space<vmem>> -> memref<1x50x32xf32, #tpu.memory_space<vmem>>
        %dma_start3A_573 = tpu.memref_squeeze %dma_start3A_572 : memref<1x50x32xf32, #tpu.memory_space<vmem>> -> memref<50x32xf32, #tpu.memory_space<vmem>>
        %dma_start3A_574 = arith.constant 0 : i32
        %dma_start3A_575 = tpu.memref_slice %arg6[%add3A_568, %dma_start3A_574] : memref<512x50xi32, #tpu.memory_space<vmem>> -> memref<1x50xi32, #tpu.memory_space<vmem>>
        %dma_start3A_576 = tpu.memref_squeeze %dma_start3A_575 : memref<1x50xi32, #tpu.memory_space<vmem>> -> memref<50xi32, #tpu.memory_space<vmem>>
        %dma_start3A_577 = arith.constant 0 : i32
        %dma_start3A_578 = arith.constant 0 : i32
        %dma_start3A_579 = tpu.memref_slice %arg3[%dma_start3A_577, %dma_start3A_578] : memref<1000001x32xf32, #tpu.memory_space<hbm>> -> memref<1000001x32xf32, #tpu.memory_space<hbm>>
        tpu.enqueue_indirect_dma source(%dma_start3A_579 : memref<1000001x32xf32, #tpu.memory_space<hbm>>) target(%dma_start3A_573 : memref<50x32xf32, #tpu.memory_space<vmem>>) offsets(%dma_start3A_576 : memref<50xi32, #tpu.memory_space<vmem>>) semaphore(%arg9 : memref<!tpu.dma_semaphore, #tpu.memory_space<semaphore_mem>>)
        %mul3A_580 = arith.constant 16 : i32
        %mul3A_581 = arith.muli %add3A_504, %mul3A_580 : i32
        %add3A_582 = arith.constant 5 : i32
        %add3A_583 = arith.addi %mul3A_581, %add3A_582 : i32
        %dma_start3A_584 = arith.constant 5 : i32
        %dma_start3A_585 = arith.constant 0 : i32
        %dma_start3A_586 = arith.constant 0 : i32
        %dma_start3A_587 = tpu.memref_slice %arg7[%dma_start3A_584, %dma_start3A_585, %dma_start3A_586] : memref<16x50x32xf32, #tpu.memory_space<vmem>> -> memref<1x50x32xf32, #tpu.memory_space<vmem>>
        %dma_start3A_588 = tpu.memref_squeeze %dma_start3A_587 : memref<1x50x32xf32, #tpu.memory_space<vmem>> -> memref<50x32xf32, #tpu.memory_space<vmem>>
        %dma_start3A_589 = arith.constant 0 : i32
        %dma_start3A_590 = tpu.memref_slice %arg6[%add3A_583, %dma_start3A_589] : memref<512x50xi32, #tpu.memory_space<vmem>> -> memref<1x50xi32, #tpu.memory_space<vmem>>
        %dma_start3A_591 = tpu.memref_squeeze %dma_start3A_590 : memref<1x50xi32, #tpu.memory_space<vmem>> -> memref<50xi32, #tpu.memory_space<vmem>>
        %dma_start3A_592 = arith.constant 0 : i32
        %dma_start3A_593 = arith.constant 0 : i32
        %dma_start3A_594 = tpu.memref_slice %arg3[%dma_start3A_592, %dma_start3A_593] : memref<1000001x32xf32, #tpu.memory_space<hbm>> -> memref<1000001x32xf32, #tpu.memory_space<hbm>>
        tpu.enqueue_indirect_dma source(%dma_start3A_594 : memref<1000001x32xf32, #tpu.memory_space<hbm>>) target(%dma_start3A_588 : memref<50x32xf32, #tpu.memory_space<vmem>>) offsets(%dma_start3A_591 : memref<50xi32, #tpu.memory_space<vmem>>) semaphore(%arg9 : memref<!tpu.dma_semaphore, #tpu.memory_space<semaphore_mem>>)
        %mul3A_595 = arith.constant 16 : i32
        %mul3A_596 = arith.muli %add3A_504, %mul3A_595 : i32
        %add3A_597 = arith.constant 6 : i32
        %add3A_598 = arith.addi %mul3A_596, %add3A_597 : i32
        %dma_start3A_599 = arith.constant 6 : i32
        %dma_start3A_600 = arith.constant 0 : i32
        %dma_start3A_601 = arith.constant 0 : i32
        %dma_start3A_602 = tpu.memref_slice %arg7[%dma_start3A_599, %dma_start3A_600, %dma_start3A_601] : memref<16x50x32xf32, #tpu.memory_space<vmem>> -> memref<1x50x32xf32, #tpu.memory_space<vmem>>
        %dma_start3A_603 = tpu.memref_squeeze %dma_start3A_602 : memref<1x50x32xf32, #tpu.memory_space<vmem>> -> memref<50x32xf32, #tpu.memory_space<vmem>>
        %dma_start3A_604 = arith.constant 0 : i32
        %dma_start3A_605 = tpu.memref_slice %arg6[%add3A_598, %dma_start3A_604] : memref<512x50xi32, #tpu.memory_space<vmem>> -> memref<1x50xi32, #tpu.memory_space<vmem>>
        %dma_start3A_606 = tpu.memref_squeeze %dma_start3A_605 : memref<1x50xi32, #tpu.memory_space<vmem>> -> memref<50xi32, #tpu.memory_space<vmem>>
        %dma_start3A_607 = arith.constant 0 : i32
        %dma_start3A_608 = arith.constant 0 : i32
        %dma_start3A_609 = tpu.memref_slice %arg3[%dma_start3A_607, %dma_start3A_608] : memref<1000001x32xf32, #tpu.memory_space<hbm>> -> memref<1000001x32xf32, #tpu.memory_space<hbm>>
        tpu.enqueue_indirect_dma source(%dma_start3A_609 : memref<1000001x32xf32, #tpu.memory_space<hbm>>) target(%dma_start3A_603 : memref<50x32xf32, #tpu.memory_space<vmem>>) offsets(%dma_start3A_606 : memref<50xi32, #tpu.memory_space<vmem>>) semaphore(%arg9 : memref<!tpu.dma_semaphore, #tpu.memory_space<semaphore_mem>>)
        %mul3A_610 = arith.constant 16 : i32
        %mul3A_611 = arith.muli %add3A_504, %mul3A_610 : i32
        %add3A_612 = arith.constant 7 : i32
        %add3A_613 = arith.addi %mul3A_611, %add3A_612 : i32
        %dma_start3A_614 = arith.constant 7 : i32
        %dma_start3A_615 = arith.constant 0 : i32
        %dma_start3A_616 = arith.constant 0 : i32
        %dma_start3A_617 = tpu.memref_slice %arg7[%dma_start3A_614, %dma_start3A_615, %dma_start3A_616] : memref<16x50x32xf32, #tpu.memory_space<vmem>> -> memref<1x50x32xf32, #tpu.memory_space<vmem>>
        %dma_start3A_618 = tpu.memref_squeeze %dma_start3A_617 : memref<1x50x32xf32, #tpu.memory_space<vmem>> -> memref<50x32xf32, #tpu.memory_space<vmem>>
        %dma_start3A_619 = arith.constant 0 : i32
        %dma_start3A_620 = tpu.memref_slice %arg6[%add3A_613, %dma_start3A_619] : memref<512x50xi32, #tpu.memory_space<vmem>> -> memref<1x50xi32, #tpu.memory_space<vmem>>
        %dma_start3A_621 = tpu.memref_squeeze %dma_start3A_620 : memref<1x50xi32, #tpu.memory_space<vmem>> -> memref<50xi32, #tpu.memory_space<vmem>>
        %dma_start3A_622 = arith.constant 0 : i32
        %dma_start3A_623 = arith.constant 0 : i32
        %dma_start3A_624 = tpu.memref_slice %arg3[%dma_start3A_622, %dma_start3A_623] : memref<1000001x32xf32, #tpu.memory_space<hbm>> -> memref<1000001x32xf32, #tpu.memory_space<hbm>>
        tpu.enqueue_indirect_dma source(%dma_start3A_624 : memref<1000001x32xf32, #tpu.memory_space<hbm>>) target(%dma_start3A_618 : memref<50x32xf32, #tpu.memory_space<vmem>>) offsets(%dma_start3A_621 : memref<50xi32, #tpu.memory_space<vmem>>) semaphore(%arg9 : memref<!tpu.dma_semaphore, #tpu.memory_space<semaphore_mem>>)
        %mul3A_625 = arith.constant 16 : i32
        %mul3A_626 = arith.muli %add3A_504, %mul3A_625 : i32
        %add3A_627 = arith.constant 8 : i32
        %add3A_628 = arith.addi %mul3A_626, %add3A_627 : i32
        %dma_start3A_629 = arith.constant 8 : i32
        %dma_start3A_630 = arith.constant 0 : i32
        %dma_start3A_631 = arith.constant 0 : i32
        %dma_start3A_632 = tpu.memref_slice %arg7[%dma_start3A_629, %dma_start3A_630, %dma_start3A_631] : memref<16x50x32xf32, #tpu.memory_space<vmem>> -> memref<1x50x32xf32, #tpu.memory_space<vmem>>
        %dma_start3A_633 = tpu.memref_squeeze %dma_start3A_632 : memref<1x50x32xf32, #tpu.memory_space<vmem>> -> memref<50x32xf32, #tpu.memory_space<vmem>>
        %dma_start3A_634 = arith.constant 0 : i32
        %dma_start3A_635 = tpu.memref_slice %arg6[%add3A_628, %dma_start3A_634] : memref<512x50xi32, #tpu.memory_space<vmem>> -> memref<1x50xi32, #tpu.memory_space<vmem>>
        %dma_start3A_636 = tpu.memref_squeeze %dma_start3A_635 : memref<1x50xi32, #tpu.memory_space<vmem>> -> memref<50xi32, #tpu.memory_space<vmem>>
        %dma_start3A_637 = arith.constant 0 : i32
        %dma_start3A_638 = arith.constant 0 : i32
        %dma_start3A_639 = tpu.memref_slice %arg3[%dma_start3A_637, %dma_start3A_638] : memref<1000001x32xf32, #tpu.memory_space<hbm>> -> memref<1000001x32xf32, #tpu.memory_space<hbm>>
        tpu.enqueue_indirect_dma source(%dma_start3A_639 : memref<1000001x32xf32, #tpu.memory_space<hbm>>) target(%dma_start3A_633 : memref<50x32xf32, #tpu.memory_space<vmem>>) offsets(%dma_start3A_636 : memref<50xi32, #tpu.memory_space<vmem>>) semaphore(%arg9 : memref<!tpu.dma_semaphore, #tpu.memory_space<semaphore_mem>>)
        %mul3A_640 = arith.constant 16 : i32
        %mul3A_641 = arith.muli %add3A_504, %mul3A_640 : i32
        %add3A_642 = arith.constant 9 : i32
        %add3A_643 = arith.addi %mul3A_641, %add3A_642 : i32
        %dma_start3A_644 = arith.constant 9 : i32
        %dma_start3A_645 = arith.constant 0 : i32
        %dma_start3A_646 = arith.constant 0 : i32
        %dma_start3A_647 = tpu.memref_slice %arg7[%dma_start3A_644, %dma_start3A_645, %dma_start3A_646] : memref<16x50x32xf32, #tpu.memory_space<vmem>> -> memref<1x50x32xf32, #tpu.memory_space<vmem>>
        %dma_start3A_648 = tpu.memref_squeeze %dma_start3A_647 : memref<1x50x32xf32, #tpu.memory_space<vmem>> -> memref<50x32xf32, #tpu.memory_space<vmem>>
        %dma_start3A_649 = arith.constant 0 : i32
        %dma_start3A_650 = tpu.memref_slice %arg6[%add3A_643, %dma_start3A_649] : memref<512x50xi32, #tpu.memory_space<vmem>> -> memref<1x50xi32, #tpu.memory_space<vmem>>
        %dma_start3A_651 = tpu.memref_squeeze %dma_start3A_650 : memref<1x50xi32, #tpu.memory_space<vmem>> -> memref<50xi32, #tpu.memory_space<vmem>>
        %dma_start3A_652 = arith.constant 0 : i32
        %dma_start3A_653 = arith.constant 0 : i32
        %dma_start3A_654 = tpu.memref_slice %arg3[%dma_start3A_652, %dma_start3A_653] : memref<1000001x32xf32, #tpu.memory_space<hbm>> -> memref<1000001x32xf32, #tpu.memory_space<hbm>>
        tpu.enqueue_indirect_dma source(%dma_start3A_654 : memref<1000001x32xf32, #tpu.memory_space<hbm>>) target(%dma_start3A_648 : memref<50x32xf32, #tpu.memory_space<vmem>>) offsets(%dma_start3A_651 : memref<50xi32, #tpu.memory_space<vmem>>) semaphore(%arg9 : memref<!tpu.dma_semaphore, #tpu.memory_space<semaphore_mem>>)
        %mul3A_655 = arith.constant 16 : i32
        %mul3A_656 = arith.muli %add3A_504, %mul3A_655 : i32
        %add3A_657 = arith.constant 10 : i32
        %add3A_658 = arith.addi %mul3A_656, %add3A_657 : i32
        %dma_start3A_659 = arith.constant 10 : i32
        %dma_start3A_660 = arith.constant 0 : i32
        %dma_start3A_661 = arith.constant 0 : i32
        %dma_start3A_662 = tpu.memref_slice %arg7[%dma_start3A_659, %dma_start3A_660, %dma_start3A_661] : memref<16x50x32xf32, #tpu.memory_space<vmem>> -> memref<1x50x32xf32, #tpu.memory_space<vmem>>
        %dma_start3A_663 = tpu.memref_squeeze %dma_start3A_662 : memref<1x50x32xf32, #tpu.memory_space<vmem>> -> memref<50x32xf32, #tpu.memory_space<vmem>>
        %dma_start3A_664 = arith.constant 0 : i32
        %dma_start3A_665 = tpu.memref_slice %arg6[%add3A_658, %dma_start3A_664] : memref<512x50xi32, #tpu.memory_space<vmem>> -> memref<1x50xi32, #tpu.memory_space<vmem>>
        %dma_start3A_666 = tpu.memref_squeeze %dma_start3A_665 : memref<1x50xi32, #tpu.memory_space<vmem>> -> memref<50xi32, #tpu.memory_space<vmem>>
        %dma_start3A_667 = arith.constant 0 : i32
        %dma_start3A_668 = arith.constant 0 : i32
        %dma_start3A_669 = tpu.memref_slice %arg3[%dma_start3A_667, %dma_start3A_668] : memref<1000001x32xf32, #tpu.memory_space<hbm>> -> memref<1000001x32xf32, #tpu.memory_space<hbm>>
        tpu.enqueue_indirect_dma source(%dma_start3A_669 : memref<1000001x32xf32, #tpu.memory_space<hbm>>) target(%dma_start3A_663 : memref<50x32xf32, #tpu.memory_space<vmem>>) offsets(%dma_start3A_666 : memref<50xi32, #tpu.memory_space<vmem>>) semaphore(%arg9 : memref<!tpu.dma_semaphore, #tpu.memory_space<semaphore_mem>>)
        %mul3A_670 = arith.constant 16 : i32
        %mul3A_671 = arith.muli %add3A_504, %mul3A_670 : i32
        %add3A_672 = arith.constant 11 : i32
        %add3A_673 = arith.addi %mul3A_671, %add3A_672 : i32
        %dma_start3A_674 = arith.constant 11 : i32
        %dma_start3A_675 = arith.constant 0 : i32
        %dma_start3A_676 = arith.constant 0 : i32
        %dma_start3A_677 = tpu.memref_slice %arg7[%dma_start3A_674, %dma_start3A_675, %dma_start3A_676] : memref<16x50x32xf32, #tpu.memory_space<vmem>> -> memref<1x50x32xf32, #tpu.memory_space<vmem>>
        %dma_start3A_678 = tpu.memref_squeeze %dma_start3A_677 : memref<1x50x32xf32, #tpu.memory_space<vmem>> -> memref<50x32xf32, #tpu.memory_space<vmem>>
        %dma_start3A_679 = arith.constant 0 : i32
        %dma_start3A_680 = tpu.memref_slice %arg6[%add3A_673, %dma_start3A_679] : memref<512x50xi32, #tpu.memory_space<vmem>> -> memref<1x50xi32, #tpu.memory_space<vmem>>
        %dma_start3A_681 = tpu.memref_squeeze %dma_start3A_680 : memref<1x50xi32, #tpu.memory_space<vmem>> -> memref<50xi32, #tpu.memory_space<vmem>>
        %dma_start3A_682 = arith.constant 0 : i32
        %dma_start3A_683 = arith.constant 0 : i32
        %dma_start3A_684 = tpu.memref_slice %arg3[%dma_start3A_682, %dma_start3A_683] : memref<1000001x32xf32, #tpu.memory_space<hbm>> -> memref<1000001x32xf32, #tpu.memory_space<hbm>>
        tpu.enqueue_indirect_dma source(%dma_start3A_684 : memref<1000001x32xf32, #tpu.memory_space<hbm>>) target(%dma_start3A_678 : memref<50x32xf32, #tpu.memory_space<vmem>>) offsets(%dma_start3A_681 : memref<50xi32, #tpu.memory_space<vmem>>) semaphore(%arg9 : memref<!tpu.dma_semaphore, #tpu.memory_space<semaphore_mem>>)
        %mul3A_685 = arith.constant 16 : i32
        %mul3A_686 = arith.muli %add3A_504, %mul3A_685 : i32
        %add3A_687 = arith.constant 12 : i32
        %add3A_688 = arith.addi %mul3A_686, %add3A_687 : i32
        %dma_start3A_689 = arith.constant 12 : i32
        %dma_start3A_690 = arith.constant 0 : i32
        %dma_start3A_691 = arith.constant 0 : i32
        %dma_start3A_692 = tpu.memref_slice %arg7[%dma_start3A_689, %dma_start3A_690, %dma_start3A_691] : memref<16x50x32xf32, #tpu.memory_space<vmem>> -> memref<1x50x32xf32, #tpu.memory_space<vmem>>
        %dma_start3A_693 = tpu.memref_squeeze %dma_start3A_692 : memref<1x50x32xf32, #tpu.memory_space<vmem>> -> memref<50x32xf32, #tpu.memory_space<vmem>>
        %dma_start3A_694 = arith.constant 0 : i32
        %dma_start3A_695 = tpu.memref_slice %arg6[%add3A_688, %dma_start3A_694] : memref<512x50xi32, #tpu.memory_space<vmem>> -> memref<1x50xi32, #tpu.memory_space<vmem>>
        %dma_start3A_696 = tpu.memref_squeeze %dma_start3A_695 : memref<1x50xi32, #tpu.memory_space<vmem>> -> memref<50xi32, #tpu.memory_space<vmem>>
        %dma_start3A_697 = arith.constant 0 : i32
        %dma_start3A_698 = arith.constant 0 : i32
        %dma_start3A_699 = tpu.memref_slice %arg3[%dma_start3A_697, %dma_start3A_698] : memref<1000001x32xf32, #tpu.memory_space<hbm>> -> memref<1000001x32xf32, #tpu.memory_space<hbm>>
        tpu.enqueue_indirect_dma source(%dma_start3A_699 : memref<1000001x32xf32, #tpu.memory_space<hbm>>) target(%dma_start3A_693 : memref<50x32xf32, #tpu.memory_space<vmem>>) offsets(%dma_start3A_696 : memref<50xi32, #tpu.memory_space<vmem>>) semaphore(%arg9 : memref<!tpu.dma_semaphore, #tpu.memory_space<semaphore_mem>>)
        %mul3A_700 = arith.constant 16 : i32
        %mul3A_701 = arith.muli %add3A_504, %mul3A_700 : i32
        %add3A_702 = arith.constant 13 : i32
        %add3A_703 = arith.addi %mul3A_701, %add3A_702 : i32
        %dma_start3A_704 = arith.constant 13 : i32
        %dma_start3A_705 = arith.constant 0 : i32
        %dma_start3A_706 = arith.constant 0 : i32
        %dma_start3A_707 = tpu.memref_slice %arg7[%dma_start3A_704, %dma_start3A_705, %dma_start3A_706] : memref<16x50x32xf32, #tpu.memory_space<vmem>> -> memref<1x50x32xf32, #tpu.memory_space<vmem>>
        %dma_start3A_708 = tpu.memref_squeeze %dma_start3A_707 : memref<1x50x32xf32, #tpu.memory_space<vmem>> -> memref<50x32xf32, #tpu.memory_space<vmem>>
        %dma_start3A_709 = arith.constant 0 : i32
        %dma_start3A_710 = tpu.memref_slice %arg6[%add3A_703, %dma_start3A_709] : memref<512x50xi32, #tpu.memory_space<vmem>> -> memref<1x50xi32, #tpu.memory_space<vmem>>
        %dma_start3A_711 = tpu.memref_squeeze %dma_start3A_710 : memref<1x50xi32, #tpu.memory_space<vmem>> -> memref<50xi32, #tpu.memory_space<vmem>>
        %dma_start3A_712 = arith.constant 0 : i32
        %dma_start3A_713 = arith.constant 0 : i32
        %dma_start3A_714 = tpu.memref_slice %arg3[%dma_start3A_712, %dma_start3A_713] : memref<1000001x32xf32, #tpu.memory_space<hbm>> -> memref<1000001x32xf32, #tpu.memory_space<hbm>>
        tpu.enqueue_indirect_dma source(%dma_start3A_714 : memref<1000001x32xf32, #tpu.memory_space<hbm>>) target(%dma_start3A_708 : memref<50x32xf32, #tpu.memory_space<vmem>>) offsets(%dma_start3A_711 : memref<50xi32, #tpu.memory_space<vmem>>) semaphore(%arg9 : memref<!tpu.dma_semaphore, #tpu.memory_space<semaphore_mem>>)
        %mul3A_715 = arith.constant 16 : i32
        %mul3A_716 = arith.muli %add3A_504, %mul3A_715 : i32
        %add3A_717 = arith.constant 14 : i32
        %add3A_718 = arith.addi %mul3A_716, %add3A_717 : i32
        %dma_start3A_719 = arith.constant 14 : i32
        %dma_start3A_720 = arith.constant 0 : i32
        %dma_start3A_721 = arith.constant 0 : i32
        %dma_start3A_722 = tpu.memref_slice %arg7[%dma_start3A_719, %dma_start3A_720, %dma_start3A_721] : memref<16x50x32xf32, #tpu.memory_space<vmem>> -> memref<1x50x32xf32, #tpu.memory_space<vmem>>
        %dma_start3A_723 = tpu.memref_squeeze %dma_start3A_722 : memref<1x50x32xf32, #tpu.memory_space<vmem>> -> memref<50x32xf32, #tpu.memory_space<vmem>>
        %dma_start3A_724 = arith.constant 0 : i32
        %dma_start3A_725 = tpu.memref_slice %arg6[%add3A_718, %dma_start3A_724] : memref<512x50xi32, #tpu.memory_space<vmem>> -> memref<1x50xi32, #tpu.memory_space<vmem>>
        %dma_start3A_726 = tpu.memref_squeeze %dma_start3A_725 : memref<1x50xi32, #tpu.memory_space<vmem>> -> memref<50xi32, #tpu.memory_space<vmem>>
        %dma_start3A_727 = arith.constant 0 : i32
        %dma_start3A_728 = arith.constant 0 : i32
        %dma_start3A_729 = tpu.memref_slice %arg3[%dma_start3A_727, %dma_start3A_728] : memref<1000001x32xf32, #tpu.memory_space<hbm>> -> memref<1000001x32xf32, #tpu.memory_space<hbm>>
        tpu.enqueue_indirect_dma source(%dma_start3A_729 : memref<1000001x32xf32, #tpu.memory_space<hbm>>) target(%dma_start3A_723 : memref<50x32xf32, #tpu.memory_space<vmem>>) offsets(%dma_start3A_726 : memref<50xi32, #tpu.memory_space<vmem>>) semaphore(%arg9 : memref<!tpu.dma_semaphore, #tpu.memory_space<semaphore_mem>>)
        %mul3A_730 = arith.constant 16 : i32
        %mul3A_731 = arith.muli %add3A_504, %mul3A_730 : i32
        %add3A_732 = arith.constant 15 : i32
        %add3A_733 = arith.addi %mul3A_731, %add3A_732 : i32
        %dma_start3A_734 = arith.constant 15 : i32
        %dma_start3A_735 = arith.constant 0 : i32
        %dma_start3A_736 = arith.constant 0 : i32
        %dma_start3A_737 = tpu.memref_slice %arg7[%dma_start3A_734, %dma_start3A_735, %dma_start3A_736] : memref<16x50x32xf32, #tpu.memory_space<vmem>> -> memref<1x50x32xf32, #tpu.memory_space<vmem>>
        %dma_start3A_738 = tpu.memref_squeeze %dma_start3A_737 : memref<1x50x32xf32, #tpu.memory_space<vmem>> -> memref<50x32xf32, #tpu.memory_space<vmem>>
        %dma_start3A_739 = arith.constant 0 : i32
        %dma_start3A_740 = tpu.memref_slice %arg6[%add3A_733, %dma_start3A_739] : memref<512x50xi32, #tpu.memory_space<vmem>> -> memref<1x50xi32, #tpu.memory_space<vmem>>
        %dma_start3A_741 = tpu.memref_squeeze %dma_start3A_740 : memref<1x50xi32, #tpu.memory_space<vmem>> -> memref<50xi32, #tpu.memory_space<vmem>>
        %dma_start3A_742 = arith.constant 0 : i32
        %dma_start3A_743 = arith.constant 0 : i32
        %dma_start3A_744 = tpu.memref_slice %arg3[%dma_start3A_742, %dma_start3A_743] : memref<1000001x32xf32, #tpu.memory_space<hbm>> -> memref<1000001x32xf32, #tpu.memory_space<hbm>>
        tpu.enqueue_indirect_dma source(%dma_start3A_744 : memref<1000001x32xf32, #tpu.memory_space<hbm>>) target(%dma_start3A_738 : memref<50x32xf32, #tpu.memory_space<vmem>>) offsets(%dma_start3A_741 : memref<50xi32, #tpu.memory_space<vmem>>) semaphore(%arg9 : memref<!tpu.dma_semaphore, #tpu.memory_space<semaphore_mem>>)
      } else {
      }
      %dma_wait3A_482 = arith.constant 0 : i32
      %dma_wait3A_483 = arith.constant 0 : i32
      %dma_wait3A_484 = tpu.memref_slice %arg4[%mul3A_2, %dma_wait3A_482, %dma_wait3A_483] : memref<16384x50x32xf32, #tpu.memory_space<hbm>> -> memref<16x50x32xf32, #tpu.memory_space<hbm>>
      %dma_wait3A_485 = arith.constant 0 : i32
      %dma_wait3A_486 = arith.constant 0 : i32
      %dma_wait3A_487 = tpu.memref_slice %arg4[%mul3A_2, %dma_wait3A_485, %dma_wait3A_486] : memref<16384x50x32xf32, #tpu.memory_space<hbm>> -> memref<16x50x32xf32, #tpu.memory_space<hbm>>
      tpu.wait_dma2 semaphore(%arg10 : memref<!tpu.dma_semaphore, #tpu.memory_space<semaphore_mem>>) src(%dma_wait3A_487 : memref<16x50x32xf32, #tpu.memory_space<hbm>>) dst(%arg8 : memref<16x50x32xf32, #tpu.memory_space<vmem>>)
      %mul3A_488 = arith.constant 16 : i32
      %mul3A_489 = arith.muli %add3A_220, %mul3A_488 : i32
      %add3A_490 = arith.addi %mul3A_2, %mul3A_489 : i32
      %dma_start3A_491 = arith.constant 0 : i32
      %dma_start3A_492 = arith.constant 0 : i32
      %dma_start3A_493 = tpu.memref_slice %arg4[%add3A_490, %dma_start3A_491, %dma_start3A_492] : memref<16384x50x32xf32, #tpu.memory_space<hbm>> -> memref<16x50x32xf32, #tpu.memory_space<hbm>>
      %dma_start3A_494 = arith.constant 0 : i32
      %dma_start3A_495 = arith.constant 0 : i32
      %dma_start3A_496 = tpu.memref_slice %arg4[%add3A_490, %dma_start3A_494, %dma_start3A_495] : memref<16384x50x32xf32, #tpu.memory_space<hbm>> -> memref<16x50x32xf32, #tpu.memory_space<hbm>>
      tpu.enqueue_dma source(%arg8 : memref<16x50x32xf32, #tpu.memory_space<vmem>>) target(%dma_start3A_496 : memref<16x50x32xf32, #tpu.memory_space<hbm>>) target_semaphore(%arg12 : memref<!tpu.dma_semaphore, #tpu.memory_space<semaphore_mem>>)
    }
    %scan3A_204 = arith.constant 16 : i32
    %dma_wait3A = arith.constant 0 : i32
    %dma_wait3A_205 = arith.constant 0 : i32
    %dma_wait3A_206 = tpu.memref_slice %arg4[%mul3A_2, %dma_wait3A, %dma_wait3A_205] : memref<16384x50x32xf32, #tpu.memory_space<hbm>> -> memref<16x50x32xf32, #tpu.memory_space<hbm>>
    %dma_wait3A_207 = arith.constant 0 : i32
    %dma_wait3A_208 = arith.constant 0 : i32
    %dma_wait3A_209 = tpu.memref_slice %arg4[%mul3A_2, %dma_wait3A_207, %dma_wait3A_208] : memref<16384x50x32xf32, #tpu.memory_space<hbm>> -> memref<16x50x32xf32, #tpu.memory_space<hbm>>
    tpu.wait_dma2 semaphore(%arg11 : memref<!tpu.dma_semaphore, #tpu.memory_space<semaphore_mem>>) src(%arg7 : memref<16x50x32xf32, #tpu.memory_space<vmem>>) dst(%dma_wait3A_209 : memref<16x50x32xf32, #tpu.memory_space<hbm>>)
    %dma_wait3A_210 = arith.constant 0 : i32
    %dma_wait3A_211 = arith.constant 0 : i32
    %dma_wait3A_212 = tpu.memref_slice %arg4[%mul3A_2, %dma_wait3A_210, %dma_wait3A_211] : memref<16384x50x32xf32, #tpu.memory_space<hbm>> -> memref<16x50x32xf32, #tpu.memory_space<hbm>>
    %dma_wait3A_213 = arith.constant 0 : i32
    %dma_wait3A_214 = arith.constant 0 : i32
    %dma_wait3A_215 = tpu.memref_slice %arg4[%mul3A_2, %dma_wait3A_213, %dma_wait3A_214] : memref<16384x50x32xf32, #tpu.memory_space<hbm>> -> memref<16x50x32xf32, #tpu.memory_space<hbm>>
    tpu.wait_dma2 semaphore(%arg12 : memref<!tpu.dma_semaphore, #tpu.memory_space<semaphore_mem>>) src(%arg7 : memref<16x50x32xf32, #tpu.memory_space<vmem>>) dst(%dma_wait3A_215 : memref<16x50x32xf32, #tpu.memory_space<hbm>>)
    return
  }
}

</mosaic_0001>

<sc_bundles>
// kernel: kernel.3.cloned.1.call-start
scs
__scs_entry_jumppad:
0x0: {  	(pc) =	sbr.rel $0x88, $3  }
0x1: {  	(tag) =	ssettag $0x0;
	lr =	simm.s32 $0x1  }
0x2: {  	[smem:$0x3F9F] =	sst lr;
	_ =	strace $0xD0000000  }
0x3: {  	_ = 	snop  }
0x4: {  	_ = 	snop  }
0x5: {  	_ = 	snop  }
0x6: {  	_ = 	snop  }
0x7: {  	_ = 	snop  }
__scs_overlays_trampoline_lowered:
0x8: {  	[smem:$0x3FAE] =	sst s0  }
0x9: {  	[smem:$0x3FAF] =	sst s1  }
0xa: {  	[smem:$0x3FB0] =	sst s2  }
0xb: {  	[smem:$0x3FB1] =	sst s3  }
0xc: {  	[smem:$0x3FB2] =	sst s4  }
0xd: {  	[smem:$0x3FB3] =	sst s5  }
0xe: {  	[smem:$0x3FB4] =	sst s6  }
0xf: {  	[smem:$0x3FB5] =	sst s7  }
0x10: {  	[smem:$0x3FB6] =	sst s8  }
0x11: {  	[smem:$0x3FB7] =	sst s9;
	s0 =	simm.s32 @!p0 $0x0  }
0x12: {  	s1 =	sld [smem:$0x3F9D];
	s0 =	simm.s32 @p0 $0x1  }
0x13: {  	[smem:$0x3FB8] =	sst s0;
	s0 =	simm.s32 @!p1 $0x0  }
0x14: {  	s2 =	sld [smem:$0x3F9C];
	s0 =	simm.s32 @p1 $0x1  }
0x15: {  	[smem:$0x3FB9] =	sst s0;
	s0 =	simm.s32 @!p2 $0x0  }
0x16: {  	s3 =	sld [smem:$0x3FDB];
	s0 =	simm.s32 @p2 $0x1  }
0x17: {  	s4 =	simm.s32 $0x1BF5;
	[smem:$0x3FBB] =	sst s0  }
0x18: {  	s0 =	sld [smem:$0x3F9E];
	_ =	swait.ge [sflag:s4], $0x0  }
0x19: {  	s7 =	sld [smem:$0x3F9F]  }
0x1a: {  	s8 =	sadd.s32 $0xFFFFE003, lr  }
0x1b: {  	s9 =	sadd.s32 $0xFFFFFEF7, lr;
	s5 =	simm.s32 $0xFFFFFFFF;
	p2 =	slt.u32 s8, $0xFFFFF086  }
0x1c: {  	p1 =	slt.u32 s9, $0xF7A;
	s5 =	simm.s32 @!p2 $0x0  }
0x1d: {  	s5 =	simm.s32 @p1 $0x1;
	p0 =	seq.s32 s7, s2  }
0x1e: {  	s7 =	smul.u32 @!p0 $0xF7A, s2;
	p2 =	seq.s32 @!p0 s5, $0x0  }
0x1f: {  	s9 =	smul.u32 $0xF7A, s1;
	s8 =	simm.s32 @!p0 $0x1BF5;
	p2 =	por !p2, p0  }
0x20: {  	[sflag:s8] =	ssyncset.s32 @!p0 $0xFFFFF086;
	s6 =	sadd.s32 @!p0 s3, s7;
	s7 =	simm.s32 @!p0 $0x108  }
0x21: {  	s3 =	sadd.s32 s3, s9;
	s6 =	sadd.s32 @!p0 $0x88, s6;
	s7 =	simm.s32 @p2 $0x1082  }
0x22: {  	[simem:s7], [sflag:s8] =	dma.local @!p0 [hbm:s6], $0xF7A  }
0x23: {  	s9 =	sor.u32 $0xD0000000, s2;
	s6 =	simm.s32 $0x108;
	_ =	swait.ge @!p0 [sflag:s8], $0x0  }
0x24: {  	s3 =	sadd.s32 $0x88, s3;
	s6 =	simm.s32 @!p1 $0x1082;
	[sflag:s4] =	ssyncset.s32 $0xFFFFF086  }
0x25: {  	[simem:s6], [sflag:s4] =	dma.local [hbm:s3], $0xF7A  }
0x26: {  	[smem:$0x3F9F] =	sst s1;
	(tag) =	ssettag s2;
	_ =	strace s9  }
0x27: {  	s1 =	sld [smem:$0x3FAF]  }
0x28: {  	s2 =	sld [smem:$0x3FB0]  }
0x29: {  	s4 =	sld [smem:$0x3FB2]  }
0x2a: {  	p0 =	seq.s32 s5, $0x0;
	s5 =	sld [smem:$0x3FB3]  }
0x2b: {  	s6 =	sld [smem:$0x3FB4]  }
0x2c: {  	s7 =	sld [smem:$0x3FB5]  }
0x2d: {  	s3 =	simm.s32 $0x108;
	s8 =	sld [smem:$0x3FB6]  }
0x2e: {  	s3 =	simm.s32 @!p0 $0x1082;
	s9 =	sld [smem:$0x3FB7]  }
0x2f: {  	lr =	sadd.s32 s0, s3;
	s0 =	sld [smem:$0x3FAE]  }
0x30: {  	s3 =	sld [smem:$0x3FB1]  }
0x31: {  	[smem:$0x3FBA] =	sst s10  }
0x32: {  	s10 =	sld [smem:$0x3FB8];
	_ =	sdelay $0x3  }
0x33: {  	p0 =	seq.s32 s10, $0x1;
	s10 =	sld [smem:$0x3FBA];
	_ =	sdelay $0x3  }
0x34: {  	[smem:$0x3FBA] =	sst s10  }
0x35: {  	s10 =	sld [smem:$0x3FB9];
	_ =	sdelay $0x3  }
0x36: {  	p1 =	seq.s32 s10, $0x1;
	s10 =	sld [smem:$0x3FBA];
	_ =	sdelay $0x3  }
0x37: {  	[smem:$0x3FBA] =	sst s10  }
0x38: {  	s10 =	sld [smem:$0x3FBB]  }
0x39: {  	_ = 	snop;
	(pc) =	sbr.ind lr, $3  }
0x3a: {  	_ = 	snop  }
0x3b: {  	_ = 	snop  }
0x3c: {  	p2 =	seq.s32 s10, $0x1;
	s10 =	sld [smem:$0x3FBA]  }
0x3d: {  	_ =	shalt  }
0x3e: {  	_ =	shalt  }
0x3f: {  	_ =	shalt  }
0x40: {  	_ =	shalt  }
0x41: {  	_ =	shalt  }
0x42: {  	_ =	shalt  }
0x43: {  	_ =	shalt  }
0x44: {  	_ =	shalt  }
0x45: {  	_ =	shalt  }
0x46: {  	_ =	shalt  }
0x47: {  	_ =	shalt  }
0x48: {  	_ =	shalt  }
0x49: {  	_ =	shalt  }
0x4a: {  	_ =	shalt  }
0x4b: {  	_ =	shalt  }
0x4c: {  	_ =	shalt  }
0x4d: {  	_ =	shalt  }
0x4e: {  	_ =	shalt  }
0x4f: {  	_ =	shalt  }
0x50: {  	_ =	shalt  }
0x51: {  	_ =	shalt  }
0x52: {  	_ =	shalt  }
0x53: {  	_ =	shalt  }
0x54: {  	_ =	shalt  }
0x55: {  	_ =	shalt  }
0x56: {  	_ =	shalt  }
0x57: {  	_ =	shalt  }
0x58: {  	_ =	shalt  }
0x59: {  	_ =	shalt  }
0x5a: {  	_ =	shalt  }
0x5b: {  	_ =	shalt  }
0x5c: {  	_ =	shalt  }
0x5d: {  	_ =	shalt  }
0x5e: {  	_ =	shalt  }
0x5f: {  	_ =	shalt  }
0x60: {  	_ =	shalt  }
0x61: {  	_ =	shalt  }
0x62: {  	_ =	shalt  }
0x63: {  	_ =	shalt  }
0x64: {  	_ =	shalt  }
0x65: {  	_ =	shalt  }
0x66: {  	_ =	shalt  }
0x67: {  	_ =	shalt  }
0x68: {  	_ =	shalt  }
0x69: {  	_ =	shalt  }
0x6a: {  	_ =	shalt  }
0x6b: {  	_ =	shalt  }
0x6c: {  	_ =	shalt  }
0x6d: {  	_ =	shalt  }
0x6e: {  	_ =	shalt  }
0x6f: {  	_ =	shalt  }
0x70: {  	_ =	shalt  }
0x71: {  	_ =	shalt  }
0x72: {  	_ =	shalt  }
0x73: {  	_ =	shalt  }
0x74: {  	_ =	shalt  }
0x75: {  	_ =	shalt  }
0x76: {  	_ =	shalt  }
0x77: {  	_ =	shalt  }
0x78: {  	_ =	shalt  }
0x79: {  	_ =	shalt  }
0x7a: {  	_ =	shalt  }
0x7b: {  	_ =	shalt  }
0x7c: {  	_ =	shalt  }
0x7d: {  	_ =	shalt  }
0x7e: {  	_ =	shalt  }
0x7f: {  	_ =	shalt  }
0x80: {  	_ =	shalt  }
0x81: {  	_ =	shalt  }
0x82: {  	_ =	shalt  }
0x83: {  	_ =	shalt  }
0x84: {  	_ =	shalt  }
0x85: {  	_ =	shalt  }
0x86: {  	_ =	shalt  }
0x87: {  	_ =	shalt  }
.Lfunc_end0:
.L_simem_size_0:
called_computation.1_lowered:
.L_overlay_start_0:
0x88: {  	s2 =	sld [smem:$0x3FD9]  }
0x89: {  	s3 =	sld [smem:$0x3FFE];
	_ =	sdelay $0x1  }
0x8a: {  	s1 =	srdreg.scid  }
0x8b: {  	s0 =	sand.u32 $0x1, s1  }
0x8c: {  	s17 =	sshll.u32 s0, $0xA;
	s2 =	sadd.s32 s3, s2  }
0x8d: {  	s2 =	sadd.s32 s2, s17  }
0x8e: {  	[smem:$0x3FC6] =	sst s2  }
0x8f: {  	_ = 	snop  }
0x90: {  	s2 =	sld [smem:$0x3FD0];
	(tm) =	ssettm $0x1  }
0x91: {  	s18 =	sld [smem:$0x3FFB];
	_ =	sdelay $0x3  }
0x92: {  	_ =	strace s18  }
0x93: {  	s3 =	sld [smem:$0x3FFC];
	_ =	sdelay $0x3  }
0x94: {  	_ =	strace s3  }
0x95: {  	s3 =	sld [smem:$0x3FFD];
	_ =	sdelay $0x3  }
0x96: {  	_ =	strace s3  }
0x97: {  	_ =	strace $0x8FFFFFFF  }
0x98: {  	s19 =	sld [smem:$0x3FDB];
	_ =	sdelay $0x1  }
0x99: {  	s4 =	simm.s32 $_scs_section_size  }
0x9a: {  	s5 =	simm.s32 $_size__tile_overlayer_lowered;
	s6 =	simm.s32 $_tile_overlayer_lowered  }
0x9b: {  	s22 =	simm.s32 $0x1BFF;
	s21 =	sshll.u32 s6, $0x1;
	s3 =	sadd.s32 s4, s19  }
0x9c: {  	s7 =	simm.s32 $0x0;
	s20 =	sshll.u32 s5, $0x1;
	s5 =	sadd.s32 s21, s3  }
0x9d: {  	[timem:s7], [sflag:s22] =	dma.local [hbm:s5], s20  }
0x9e: {  	_ =	swait.ge [sflag:s22], s20  }
0x9f: {  	s4 =	ssub.s32 $0x0, s20;
	[sflag:s22] =	ssyncset.done $0x0  }
0xa0: {  	[sflag:s22] =	ssyncadd.s32 s4;
	_ =	sdelay $0x1  }
0xa1: {  	s23 =	simm.s32 $0x1B8B  }
0xa2: {  	_ =	swait.ge [sflag:s23], $0x1  }
0xa3: {  	[sflag:s23] =	ssyncset.done $0x0  }
0xa4: {  	s25 =	simm.s32 $0x1B8E;
	s24 =	sld [smem:$0x3FFE];
	[sflag:s23] =	ssyncadd.s32 $0xFFFFFFFF  }
0xa5: {  	s26 =	simm.s32 $execute0_lowered;
	[smem:$0x3FD2] =	sst s25  }
0xa6: {  	s5 =	sshll.u32 s26, $0x1;
	_ =	strace $0x80000046;
	[dreg:$0x1] =	wrdreg $0xFFFFFFFF  }
0xa7: {  	s28 =	simm.s32 $_size_execute0_lowered;
	s3 =	sadd.s32 s3, s5;
	[dreg:$0x0] =	wrdreg $0x0  }
0xa8: {  	s5 =	sshll.u32 s28, $0x1;
	[dreg:$0x2] =	wrdreg s3  }
0xa9: {  	[dreg:$0x3] =	wrdreg s5  }
0xaa: {  	[dreg:$0x4] =	wrdreg $0xC0  }
0xab: {  	_ =	task [dreg:s7], $0x5FFFF  }
0xac: {  	[dreg:$0x1] =	wrdreg $0xFFFFFFFF  }
0xad: {  	[dreg:$0x0] =	wrdreg $0x60  }
0xae: {  	[dreg:$0x2] =	wrdreg s24  }
0xaf: {  	[dreg:$0x3] =	wrdreg s2  }
0xb0: {  	[dreg:$0x4] =	wrdreg $0x9  }
0xb1: {  	_ =	task.clear_ibuf [dreg:s7], $0x5FFFF;
	_ =	strace $0x90000046  }
0xb2: {  	s29 =	simm.s32 $0x9;
	_ =	strace $0x80000048  }
0xb3: {  	_ =	swait.ge [sflag:s29], $0x1  }
0xb4: {  	[sflag:s29] =	ssyncadd.s32 $0xFFFFFFFF  }
0xb5: {  	_ =	strace $0x90000048  }
0xb6: {  	_ =	sfence  }
0xb7: {  	s30 =	sld [smem:$0x0];
	_ =	sdelay $0x2  }
0xb8: {  	s31 =	sshll.u32 s1, $0xD;
	s1 =	sshrl.u32 s1, $0x2  }
0xb9: {  	s3 =	sand.u32 $0x4000, s31;
	s1 =	sadd.s32 s1, s30  }
0xba: {  	s0 =	sor.u32 s3, s0;
	s1 =	sshll.u32 s1, $0x11  }
0xbb: {  	s0 =	sor.u32 s1, s0  }
0xbc: {  	s0 =	sadd.s32 $0x8F2B, s0  }
0xbd: {  	[sflag:s0] =	ssyncadd.remote.s32 $0x1  }
0xbe: {  	_ =	sfence.sel $0xFFFF  }
0xbf: {  	[dreg:$0x0] =	wrdreg $0xFFFFFFFF;
	(pc) =	sbr.abs _section_cstart, $3  }
0xc0: {  	[dreg:$0x1] =	wrdreg $0xFFFFFFFF  }
0xc1: {  	_ =	task.clear_ibuf [dreg:s7], $0x2FFFF;
	_ =	strace $0x9FFFFFFF  }
0xc2: {  	(tm) =	ssettm $0x7FFFFFFF  }
0xc3: {  	_ =	shalt  }
tec
execute0_lowered:
.L_overlay_start_1:
0x0: {  	(tag) =	ssettag $0x1  }
0x1: {  	s0 =	srdreg.scid  }
0x2: {  	s1 =	rddreg [dreg:$0x0];
	s8 =	stileid.u32  }
0x3: {  	s4 =	rddreg [dreg:$0x1];
	s2 =	simm.s32 $0x0;
	s12 =	simm.s32 $0x32  }
0x4: {  	s28 =	simm.s32 $0xEC80;
	s17 =	simm.s32 $0xF900;
	s13 =	simm.s32 $0xFF40  }
0x5: {  	s30 =	simm.s32 $0x10580;
	s9 =	simm.s32 $0x12B00;
	s11 =	simm.s32 $0x13780  }
0x6: {  	s10 =	simm.s32 $0x13DC0;
	s14 =	simm.s32 $0x14400;
	s16 =	simm.s32 $0x14A40  }
0x7: {  	s18 =	simm.s32 $0x15080;
	s20 =	simm.s32 $0x156C0;
	s29 =	simm.s32 $0x2  }
0x8: {  	s31 =	simm.s32 $0x4;
	s15 =	simm.s32 $0x0;
	s0 =	sand.u32 $0x1, s0  }
0x9: {  	s3 =	sshll.u32 s8, $0xA;
	[smem:$0x7FF] =	sst s2;
	s8 =	smul.u32 $0x32000, s8  }
0xa: {  	s5 =	sshll.u32 s0, $0x9;
	_ =	strace $0x80000047;
	s6 =	ssub.s32 $0x2, s0  }
0xb: {  	s0 =	smul.u32 $0x19000, s0;
	s3 =	sor.u32 s5, s3;
	s21 =	sshrl.u32 s6, $0x1  }
0xc: {  	s23 =	sadd.s32 s8, s4;
	s8 =	simm.s32 $0x124C0;
	s5 =	smul.u32 $0x7, s3  }
0xd: {  	s7 =	smul.u32 $0xC8, s3;
	s3 =	sadd.s32 $0xF43000, s1;
	s0 =	sadd.s32 s0, s23  }
0xe: {  	s23 =	simm.s32 $0xE640;
	s0 =	sadd.s32 $0x1900, s0;
	s5 =	sadd.s32 s5, s1  }
0xf: {  	s1 =	ssub.s32 s6, s21;
	s22 =	sadd.s32 s4, s7;
	[dreg:$0x9] =	wrdreg s0  }
0x10: {  	s21 =	simm.s32 $0x10BC0;
	s5 =	sadd.s32 $0xA00, s5;
	[dreg:$0x5] =	wrdreg s22  }
0x11: {  	s4 =	simm.s32 $0x11200;
	s1 =	smax.u32 s1, $0x1;
	[dreg:$0x3] =	wrdreg s5  }
0x12: {  	s7 =	simm.s32 $0x11E80;
	s24 =	sadd.s32 $0xC80, s22;
	[dreg:$0x4] =	wrdreg s1  }
0x13: {  	s6 =	simm.s32 $0x13140;
	s25 =	sadd.s32 $0x17700, s22;
	[dreg:$0x6] =	wrdreg s24  }
0x14: {  	s26 =	sadd.s32 $0x18380, s22;
	s22 =	simm.s32 $0x15D00;
	[dreg:$0x7] =	wrdreg s25  }
0x15: {  	[dreg:$0x8] =	wrdreg s26;
	s1 =	simm.s32 $0xF2C0;
	s5 =	simm.s32 $0x11840  }
0x16: {  	s24 =	simm.s32 $0x1;
	s26 =	simm.s32 $0x3;
	s25 =	simm.s32 $0xE000  }
.LBB2_1:
0x17: {  	[dreg:$0xa] =	wrdreg s15  }
0x18: {  	s0 =	rddreg [dreg:$0x3];
	s19 =	simm.s32 $0x5  }
0x19: {  	[tilespmem:s2], [sflag:$0x5] =	stream.linear.gather [hbm4b:s0+s2], $0x7000, $0x38;
	[tilespmem:$0x1A800] =	vst v63  }
0x1a: {  	_ =	swait.ge [sflag:s19], $0x7000  }
0x1b: {  	[sflag:s19] =	ssyncset.done $0x0  }
0x1c: {  	s0 =	simm.s32 $0x0;
	[sflag:s19] =	ssyncadd.s32 $0xFFFF9000  }
0x1d: {  	v3 =	vld [tilespmem:s0+$0x20]  }
0x1e: {  	v1 =	vld [tilespmem:s0+$0x22]  }
0x1f: {  	v2 =	vld [tilespmem:s0+$0x0]  }
0x20: {  	v0 =	vld [tilespmem:s0+$0x10]  }
0x21: {  	s15 =	simm.s32 $0xE0  }
.LBB2_2:
0x22: {  	s19 =	sshra.s32 s15, $0x2;
	vm0 =	veq.s32 v3, $0xFFFFFF9C;
	v4 =	vadd.s32 $0x1, v3;
	p0 =	sne.s32 s15, $0x1BF20  }
.Ltmp0:
0x23: {  	s15 =	sadd.s32 $0xE0, s15;
	v3 =	vld [tilespmem:s19+$0x20];
	v4 =	vsel vm0, $0x1, v4;
	vm0 =	veq.s32 v1, $0xFFFFFF9C;
	v5 =	vadd.s32 $0x1, v1;
	(pc) =	sbr.rel @p0 .LBB2_2-.Ltmp0, $4  }
0x24: {  	v1 =	vld [tilespmem:s19+$0x22];
	vm1 =	veq.s32 v2, $0xFFFFFF9C;
	v6 =	vadd.s32 $0x1, v2;
	[tilespmem:s0+$0x7020] =	vst v4;
	v4 =	vsel vm0, $0x1, v5  }
0x25: {  	v2 =	vld [tilespmem:s19+$0x0];
	v5 =	vsel vm1, $0x1, v6;
	vm0 =	veq.s32 v0, $0xFFFFFF9C;
	v6 =	vadd.s32 $0x1, v0;
	[tilespmem:s0+$0x7022] =	vst v4  }
0x26: {  	v0 =	vld [tilespmem:s19+$0x10];
	[tilespmem:s0+$0x7000] =	vst v5;
	v4 =	vsel vm0, $0x1, v6  }
0x27: {  	[tilespmem:s0+$0x7010] =	vst v4;
	s0 =	smov.u32 s19  }
0x28: {  	vm0 =	veq.s32 v3, $0xFFFFFF9C;
	v60 =	vadd.s32 $0x1, v3  }
0x29: {  	v3 =	vsel vm0, $0x1, v60;
	vm14 =	veq.s32 v1, $0xFFFFFF9C;
	v61 =	vadd.s32 $0x1, v1  }
0x2a: {  	vm1 =	veq.s32 v2, $0xFFFFFF9C;
	v62 =	vadd.s32 $0x1, v2;
	[tilespmem:s0+$0x7020] =	vst v3;
	v1 =	vsel vm14, $0x1, v61  }
0x2b: {  	v2 =	vsel vm1, $0x1, v62;
	vm15 =	veq.s32 v0, $0xFFFFFF9C;
	v63 =	vadd.s32 $0x1, v0;
	[tilespmem:s0+$0x7022] =	vst v1  }
0x2c: {  	[tilespmem:s0+$0x7000] =	vst v2;
	v0 =	vsel vm15, $0x1, v63  }
0x2d: {  	s19 =	simm.s32 $0x7000;
	[tilespmem:s0+$0x7010] =	vst v0  }
0x2e: {  	[tilespmem:s25], [sflag:$0x1] =	stream.indirect.gather [hbm4b:s3+s12], $0x20, s19, s12, $0xb8;
	[tilespmem:$0x1A800] =	vst v63  }
0x2f: {  	s2 =	simm.s32 $0x7038  }
0x30: {  	[tilespmem:s23], [sflag:$0x1] =	stream.indirect.gather [hbm4b:s3+s12], $0x20, s2, s12, $0xb8;
	[tilespmem:$0x1A800] =	vst v63  }
0x31: {  	s15 =	simm.s32 $0x7070  }
0x32: {  	[tilespmem:s28], [sflag:$0x1] =	stream.indirect.gather [hbm4b:s3+s12], $0x20, s15, s12, $0xb8;
	[tilespmem:$0x1A800] =	vst v63  }
0x33: {  	s19 =	simm.s32 $0x70A8  }
0x34: {  	[tilespmem:s1], [sflag:$0x1] =	stream.indirect.gather [hbm4b:s3+s12], $0x20, s19, s12, $0xb8;
	[tilespmem:$0x1A800] =	vst v63  }
0x35: {  	s2 =	simm.s32 $0x70E0  }
0x36: {  	[tilespmem:s17], [sflag:$0x1] =	stream.indirect.gather [hbm4b:s3+s12], $0x20, s2, s12, $0xb8;
	[tilespmem:$0x1A800] =	vst v63  }
0x37: {  	s15 =	simm.s32 $0x7118  }
0x38: {  	[tilespmem:s13], [sflag:$0x1] =	stream.indirect.gather [hbm4b:s3+s12], $0x20, s15, s12, $0xb8;
	[tilespmem:$0x1A800] =	vst v63  }
0x39: {  	s19 =	simm.s32 $0x7150  }
0x3a: {  	[tilespmem:s30], [sflag:$0x1] =	stream.indirect.gather [hbm4b:s3+s12], $0x20, s19, s12, $0xb8;
	[tilespmem:$0x1A800] =	vst v63  }
0x3b: {  	s2 =	simm.s32 $0x7188  }
0x3c: {  	[tilespmem:s21], [sflag:$0x1] =	stream.indirect.gather [hbm4b:s3+s12], $0x20, s2, s12, $0xb8;
	[tilespmem:$0x1A800] =	vst v63  }
0x3d: {  	s15 =	simm.s32 $0x71C0  }
0x3e: {  	[tilespmem:s4], [sflag:$0x1] =	stream.indirect.gather [hbm4b:s3+s12], $0x20, s15, s12, $0xb8;
	[tilespmem:$0x1A800] =	vst v63  }
0x3f: {  	s19 =	simm.s32 $0x71F8  }
0x40: {  	[tilespmem:s5], [sflag:$0x1] =	stream.indirect.gather [hbm4b:s3+s12], $0x20, s19, s12, $0xb8;
	[tilespmem:$0x1A800] =	vst v63  }
0x41: {  	s2 =	simm.s32 $0x7230  }
0x42: {  	[tilespmem:s7], [sflag:$0x1] =	stream.indirect.gather [hbm4b:s3+s12], $0x20, s2, s12, $0xb8;
	[tilespmem:$0x1A800] =	vst v63  }
0x43: {  	s15 =	simm.s32 $0x7268  }
0x44: {  	[tilespmem:s8], [sflag:$0x1] =	stream.indirect.gather [hbm4b:s3+s12], $0x20, s15, s12, $0xb8;
	[tilespmem:$0x1A800] =	vst v63  }
0x45: {  	s19 =	simm.s32 $0x72A0  }
0x46: {  	[tilespmem:s9], [sflag:$0x1] =	stream.indirect.gather [hbm4b:s3+s12], $0x20, s19, s12, $0xb8;
	[tilespmem:$0x1A800] =	vst v63  }
0x47: {  	s2 =	simm.s32 $0x72D8  }
0x48: {  	[tilespmem:s6], [sflag:$0x1] =	stream.indirect.gather [hbm4b:s3+s12], $0x20, s2, s12, $0xb8;
	[tilespmem:$0x1A800] =	vst v63  }
0x49: {  	s15 =	simm.s32 $0x7310  }
0x4a: {  	[tilespmem:s11], [sflag:$0x1] =	stream.indirect.gather [hbm4b:s3+s12], $0x20, s15, s12, $0xb8;
	[tilespmem:$0x1A800] =	vst v63  }
0x4b: {  	s19 =	simm.s32 $0x7348  }
0x4c: {  	[tilespmem:s10], [sflag:$0x1] =	stream.indirect.gather [hbm4b:s3+s12], $0x20, s19, s12, $0xb8;
	[tilespmem:$0x1A800] =	vst v63  }
0x4d: {  	s2 =	simm.s32 $0x7380  }
0x4e: {  	[tilespmem:s14], [sflag:$0x2] =	stream.indirect.gather [hbm4b:s3+s12], $0x20, s2, s12, $0xb8;
	[tilespmem:$0x1A800] =	vst v63  }
0x4f: {  	s15 =	simm.s32 $0x73B8  }
0x50: {  	[tilespmem:s16], [sflag:$0x2] =	stream.indirect.gather [hbm4b:s3+s12], $0x20, s15, s12, $0xb8;
	[tilespmem:$0x1A800] =	vst v63  }
0x51: {  	s19 =	simm.s32 $0x73F0  }
0x52: {  	[tilespmem:s18], [sflag:$0x2] =	stream.indirect.gather [hbm4b:s3+s12], $0x20, s19, s12, $0xb8;
	[tilespmem:$0x1A800] =	vst v63  }
0x53: {  	s2 =	simm.s32 $0x7428  }
0x54: {  	[tilespmem:s20], [sflag:$0x2] =	stream.indirect.gather [hbm4b:s3+s12], $0x20, s2, s12, $0xb8;
	[tilespmem:$0x1A800] =	vst v63  }
0x55: {  	s15 =	simm.s32 $0x7460  }
0x56: {  	[tilespmem:s22], [sflag:$0x2] =	stream.indirect.gather [hbm4b:s3+s12], $0x20, s15, s12, $0xb8;
	[tilespmem:$0x1A800] =	vst v63  }
0x57: {  	s19 =	simm.s32 $0x7498;
	s2 =	simm.s32 $0x16340  }
0x58: {  	[tilespmem:s2], [sflag:$0x2] =	stream.indirect.gather [hbm4b:s3+s12], $0x20, s19, s12, $0xb8;
	[tilespmem:$0x1A800] =	vst v63  }
0x59: {  	s15 =	simm.s32 $0x74D0;
	s19 =	simm.s32 $0x16980  }
0x5a: {  	[tilespmem:s19], [sflag:$0x2] =	stream.indirect.gather [hbm4b:s3+s12], $0x20, s15, s12, $0xb8;
	[tilespmem:$0x1A800] =	vst v63  }
0x5b: {  	s0 =	simm.s32 $0x7508;
	s15 =	simm.s32 $0x16FC0  }
0x5c: {  	[tilespmem:s15], [sflag:$0x2] =	stream.indirect.gather [hbm4b:s3+s12], $0x20, s0, s12, $0xb8;
	[tilespmem:$0x1A800] =	vst v63  }
0x5d: {  	s15 =	simm.s32 $0x17600;
	s0 =	simm.s32 $0x7540  }
0x5e: {  	[tilespmem:s15], [sflag:$0x2] =	stream.indirect.gather [hbm4b:s3+s12], $0x20, s0, s12, $0xb8;
	[tilespmem:$0x1A800] =	vst v63  }
0x5f: {  	s15 =	simm.s32 $0x17C40;
	s0 =	simm.s32 $0x7578  }
0x60: {  	[tilespmem:s15], [sflag:$0x2] =	stream.indirect.gather [hbm4b:s3+s12], $0x20, s0, s12, $0xb8;
	[tilespmem:$0x1A800] =	vst v63  }
0x61: {  	s15 =	simm.s32 $0x18280;
	s0 =	simm.s32 $0x75B0  }
0x62: {  	[tilespmem:s15], [sflag:$0x2] =	stream.indirect.gather [hbm4b:s3+s12], $0x20, s0, s12, $0xb8;
	[tilespmem:$0x1A800] =	vst v63  }
0x63: {  	s15 =	simm.s32 $0x188C0;
	s0 =	simm.s32 $0x75E8  }
0x64: {  	[tilespmem:s15], [sflag:$0x2] =	stream.indirect.gather [hbm4b:s3+s12], $0x20, s0, s12, $0xb8;
	[tilespmem:$0x1A800] =	vst v63  }
0x65: {  	s15 =	simm.s32 $0x18F00;
	s0 =	simm.s32 $0x7620  }
0x66: {  	[tilespmem:s15], [sflag:$0x2] =	stream.indirect.gather [hbm4b:s3+s12], $0x20, s0, s12, $0xb8;
	[tilespmem:$0x1A800] =	vst v63  }
0x67: {  	s15 =	simm.s32 $0x19540;
	s0 =	simm.s32 $0x7658  }
0x68: {  	[tilespmem:s15], [sflag:$0x2] =	stream.indirect.gather [hbm4b:s3+s12], $0x20, s0, s12, $0xb8;
	[tilespmem:$0x1A800] =	vst v63  }
0x69: {  	s15 =	simm.s32 $0x19B80;
	s0 =	simm.s32 $0x7690  }
0x6a: {  	[tilespmem:s15], [sflag:$0x2] =	stream.indirect.gather [hbm4b:s3+s12], $0x20, s0, s12, $0xb8;
	[tilespmem:$0x1A800] =	vst v63  }
0x6b: {  	s15 =	simm.s32 $0x1A1C0;
	s0 =	simm.s32 $0x76C8  }
0x6c: {  	[tilespmem:s15], [sflag:$0x2] =	stream.indirect.gather [hbm4b:s3+s12], $0x20, s0, s12, $0xb8;
	[tilespmem:$0x1A800] =	vst v63  }
0x6d: {  	_ =	swait.ge [sflag:s24], $0x6400  }
0x6e: {  	[sflag:s24] =	ssyncset.done $0x0  }
0x6f: {  	s0 =	simm.s32 $0x0;
	s15 =	rddreg [dreg:$0x5];
	[sflag:s24] =	ssyncadd.s32 $0xFFFF9C00  }
0x70: {  	[hbm4b:s15+s0] =	stream.linear.scatter [tilespmem:s25], [sflag:$0x3], $0x6400, $0x38;
	[tilespmem:$0x1A800] =	vst v63  }
0x71: {  	_ =	swait.ge [sflag:s26], $0x6400  }
0x72: {  	[sflag:s26] =	ssyncset.done $0x0  }
0x73: {  	s15 =	simm.s32 $0x7700;
	[sflag:s26] =	ssyncadd.s32 $0xFFFF9C00  }
0x74: {  	[tilespmem:s25], [sflag:$0x1] =	stream.indirect.gather [hbm4b:s3+s12], $0x20, s15, s12, $0xb8;
	[tilespmem:$0x1A800] =	vst v63  }
0x75: {  	s15 =	simm.s32 $0x7738  }
0x76: {  	[tilespmem:s23], [sflag:$0x1] =	stream.indirect.gather [hbm4b:s3+s12], $0x20, s15, s12, $0xb8;
	[tilespmem:$0x1A800] =	vst v63  }
0x77: {  	s15 =	simm.s32 $0x7770  }
0x78: {  	[tilespmem:s28], [sflag:$0x1] =	stream.indirect.gather [hbm4b:s3+s12], $0x20, s15, s12, $0xb8;
	[tilespmem:$0x1A800] =	vst v63  }
0x79: {  	s15 =	simm.s32 $0x77A8  }
0x7a: {  	[tilespmem:s1], [sflag:$0x1] =	stream.indirect.gather [hbm4b:s3+s12], $0x20, s15, s12, $0xb8;
	[tilespmem:$0x1A800] =	vst v63  }
0x7b: {  	s15 =	simm.s32 $0x77E0  }
0x7c: {  	[tilespmem:s17], [sflag:$0x1] =	stream.indirect.gather [hbm4b:s3+s12], $0x20, s15, s12, $0xb8;
	[tilespmem:$0x1A800] =	vst v63  }
0x7d: {  	s15 =	simm.s32 $0x7818  }
0x7e: {  	[tilespmem:s13], [sflag:$0x1] =	stream.indirect.gather [hbm4b:s3+s12], $0x20, s15, s12, $0xb8;
	[tilespmem:$0x1A800] =	vst v63  }
0x7f: {  	s15 =	simm.s32 $0x7850  }
0x80: {  	[tilespmem:s30], [sflag:$0x1] =	stream.indirect.gather [hbm4b:s3+s12], $0x20, s15, s12, $0xb8;
	[tilespmem:$0x1A800] =	vst v63  }
0x81: {  	s15 =	simm.s32 $0x7888  }
0x82: {  	[tilespmem:s21], [sflag:$0x1] =	stream.indirect.gather [hbm4b:s3+s12], $0x20, s15, s12, $0xb8;
	[tilespmem:$0x1A800] =	vst v63  }
0x83: {  	s15 =	simm.s32 $0x78C0  }
0x84: {  	[tilespmem:s4], [sflag:$0x1] =	stream.indirect.gather [hbm4b:s3+s12], $0x20, s15, s12, $0xb8;
	[tilespmem:$0x1A800] =	vst v63  }
0x85: {  	s15 =	simm.s32 $0x78F8  }
0x86: {  	[tilespmem:s5], [sflag:$0x1] =	stream.indirect.gather [hbm4b:s3+s12], $0x20, s15, s12, $0xb8;
	[tilespmem:$0x1A800] =	vst v63  }
0x87: {  	s15 =	simm.s32 $0x7930  }
0x88: {  	[tilespmem:s7], [sflag:$0x1] =	stream.indirect.gather [hbm4b:s3+s12], $0x20, s15, s12, $0xb8;
	[tilespmem:$0x1A800] =	vst v63  }
0x89: {  	s15 =	simm.s32 $0x7968  }
0x8a: {  	[tilespmem:s8], [sflag:$0x1] =	stream.indirect.gather [hbm4b:s3+s12], $0x20, s15, s12, $0xb8;
	[tilespmem:$0x1A800] =	vst v63  }
0x8b: {  	s15 =	simm.s32 $0x79A0  }
0x8c: {  	[tilespmem:s9], [sflag:$0x1] =	stream.indirect.gather [hbm4b:s3+s12], $0x20, s15, s12, $0xb8;
	[tilespmem:$0x1A800] =	vst v63  }
0x8d: {  	s15 =	simm.s32 $0x79D8  }
0x8e: {  	[tilespmem:s6], [sflag:$0x1] =	stream.indirect.gather [hbm4b:s3+s12], $0x20, s15, s12, $0xb8;
	[tilespmem:$0x1A800] =	vst v63  }
0x8f: {  	s15 =	simm.s32 $0x7A10  }
0x90: {  	[tilespmem:s11], [sflag:$0x1] =	stream.indirect.gather [hbm4b:s3+s12], $0x20, s15, s12, $0xb8;
	[tilespmem:$0x1A800] =	vst v63  }
0x91: {  	s15 =	simm.s32 $0x7A48  }
0x92: {  	[tilespmem:s10], [sflag:$0x1] =	stream.indirect.gather [hbm4b:s3+s12], $0x20, s15, s12, $0xb8;
	[tilespmem:$0x1A800] =	vst v63  }
0x93: {  	_ =	swait.ge [sflag:s29], $0x6400  }
0x94: {  	[sflag:s29] =	ssyncset.done $0x0  }
0x95: {  	s15 =	rddreg [dreg:$0x6];
	[sflag:s29] =	ssyncadd.s32 $0xFFFF9C00  }
0x96: {  	[hbm4b:s15+s0] =	stream.linear.scatter [tilespmem:s14], [sflag:$0x4], $0x6400, $0x38;
	[tilespmem:$0x1A800] =	vst v63  }
0x97: {  	_ =	swait.ge [sflag:s31], $0x6400  }
0x98: {  	[sflag:s31] =	ssyncset.done $0x0  }
0x99: {  	s15 =	simm.s32 $0x7A80;
	[sflag:s31] =	ssyncadd.s32 $0xFFFF9C00  }
0x9a: {  	[tilespmem:s14], [sflag:$0x2] =	stream.indirect.gather [hbm4b:s3+s12], $0x20, s15, s12, $0xb8;
	[tilespmem:$0x1A800] =	vst v63  }
0x9b: {  	s15 =	simm.s32 $0x7AB8  }
0x9c: {  	[tilespmem:s16], [sflag:$0x2] =	stream.indirect.gather [hbm4b:s3+s12], $0x20, s15, s12, $0xb8;
	[tilespmem:$0x1A800] =	vst v63  }
0x9d: {  	s16 =	simm.s32 $0x7AF0  }
0x9e: {  	[tilespmem:s18], [sflag:$0x2] =	stream.indirect.gather [hbm4b:s3+s12], $0x20, s16, s12, $0xb8;
	[tilespmem:$0x1A800] =	vst v63  }
0x9f: {  	s18 =	simm.s32 $0x7B28  }
0xa0: {  	[tilespmem:s20], [sflag:$0x2] =	stream.indirect.gather [hbm4b:s3+s12], $0x20, s18, s12, $0xb8;
	[tilespmem:$0x1A800] =	vst v63  }
0xa1: {  	s20 =	simm.s32 $0x7B60  }
0xa2: {  	[tilespmem:s22], [sflag:$0x2] =	stream.indirect.gather [hbm4b:s3+s12], $0x20, s20, s12, $0xb8;
	[tilespmem:$0x1A800] =	vst v63  }
0xa3: {  	s22 =	simm.s32 $0x7B98  }
0xa4: {  	[tilespmem:s2], [sflag:$0x2] =	stream.indirect.gather [hbm4b:s3+s12], $0x20, s22, s12, $0xb8;
	[tilespmem:$0x1A800] =	vst v63  }
0xa5: {  	s14 =	simm.s32 $0x7BD0  }
0xa6: {  	[tilespmem:s19], [sflag:$0x2] =	stream.indirect.gather [hbm4b:s3+s12], $0x20, s14, s12, $0xb8;
	[tilespmem:$0x1A800] =	vst v63  }
0xa7: {  	s15 =	simm.s32 $0x7C08;
	s16 =	simm.s32 $0x16FC0  }
0xa8: {  	[tilespmem:s16], [sflag:$0x2] =	stream.indirect.gather [hbm4b:s3+s12], $0x20, s15, s12, $0xb8;
	[tilespmem:$0x1A800] =	vst v63  }
0xa9: {  	s18 =	simm.s32 $0x7C40;
	s19 =	simm.s32 $0x17600  }
0xaa: {  	[tilespmem:s19], [sflag:$0x2] =	stream.indirect.gather [hbm4b:s3+s12], $0x20, s18, s12, $0xb8;
	[tilespmem:$0x1A800] =	vst v63  }
0xab: {  	s20 =	simm.s32 $0x7C78;
	s22 =	simm.s32 $0x17C40  }
0xac: {  	[tilespmem:s22], [sflag:$0x2] =	stream.indirect.gather [hbm4b:s3+s12], $0x20, s20, s12, $0xb8;
	[tilespmem:$0x1A800] =	vst v63  }
0xad: {  	s2 =	simm.s32 $0x7CB0;
	s14 =	simm.s32 $0x18280  }
0xae: {  	[tilespmem:s14], [sflag:$0x2] =	stream.indirect.gather [hbm4b:s3+s12], $0x20, s2, s12, $0xb8;
	[tilespmem:$0x1A800] =	vst v63  }
0xaf: {  	s15 =	simm.s32 $0x7CE8;
	s16 =	simm.s32 $0x188C0  }
0xb0: {  	[tilespmem:s16], [sflag:$0x2] =	stream.indirect.gather [hbm4b:s3+s12], $0x20, s15, s12, $0xb8;
	[tilespmem:$0x1A800] =	vst v63  }
0xb1: {  	s18 =	simm.s32 $0x7D20;
	s19 =	simm.s32 $0x18F00  }
0xb2: {  	[tilespmem:s19], [sflag:$0x2] =	stream.indirect.gather [hbm4b:s3+s12], $0x20, s18, s12, $0xb8;
	[tilespmem:$0x1A800] =	vst v63  }
0xb3: {  	s20 =	simm.s32 $0x7D58;
	s22 =	simm.s32 $0x19540  }
0xb4: {  	[tilespmem:s22], [sflag:$0x2] =	stream.indirect.gather [hbm4b:s3+s12], $0x20, s20, s12, $0xb8;
	[tilespmem:$0x1A800] =	vst v63  }
0xb5: {  	s2 =	simm.s32 $0x7D90;
	s14 =	simm.s32 $0x19B80  }
0xb6: {  	[tilespmem:s14], [sflag:$0x2] =	stream.indirect.gather [hbm4b:s3+s12], $0x20, s2, s12, $0xb8;
	[tilespmem:$0x1A800] =	vst v63  }
0xb7: {  	s15 =	simm.s32 $0x7DC8;
	s16 =	simm.s32 $0x1A1C0  }
0xb8: {  	[tilespmem:s16], [sflag:$0x2] =	stream.indirect.gather [hbm4b:s3+s12], $0x20, s15, s12, $0xb8;
	[tilespmem:$0x1A800] =	vst v63  }
0xb9: {  	_ =	swait.ge [sflag:s24], $0x6400  }
0xba: {  	[sflag:s24] =	ssyncset.done $0x0  }
0xbb: {  	s18 =	simm.s32 $0x0;
	s15 =	rddreg [dreg:$0x9];
	[sflag:s24] =	ssyncadd.s32 $0xFFFF9C00  }
0xbc: {  	[hbm4b:s15+s18] =	stream.linear.scatter [tilespmem:s25], [sflag:$0x3], $0x6400, $0x38;
	[tilespmem:$0x1A800] =	vst v63  }
0xbd: {  	_ =	swait.ge [sflag:s26], $0x6400  }
0xbe: {  	[sflag:s26] =	ssyncset.done $0x0  }
0xbf: {  	s19 =	simm.s32 $0x7E00;
	[sflag:s26] =	ssyncadd.s32 $0xFFFF9C00  }
0xc0: {  	[tilespmem:s25], [sflag:$0x1] =	stream.indirect.gather [hbm4b:s3+s12], $0x20, s19, s12, $0xb8;
	[tilespmem:$0x1A800] =	vst v63  }
0xc1: {  	s20 =	simm.s32 $0x7E38  }
0xc2: {  	[tilespmem:s23], [sflag:$0x1] =	stream.indirect.gather [hbm4b:s3+s12], $0x20, s20, s12, $0xb8;
	[tilespmem:$0x1A800] =	vst v63  }
0xc3: {  	s22 =	simm.s32 $0x7E70  }
0xc4: {  	[tilespmem:s28], [sflag:$0x1] =	stream.indirect.gather [hbm4b:s3+s12], $0x20, s22, s12, $0xb8;
	[tilespmem:$0x1A800] =	vst v63  }
0xc5: {  	s23 =	simm.s32 $0x7EA8  }
0xc6: {  	[tilespmem:s1], [sflag:$0x1] =	stream.indirect.gather [hbm4b:s3+s12], $0x20, s23, s12, $0xb8;
	[tilespmem:$0x1A800] =	vst v63  }
0xc7: {  	s1 =	simm.s32 $0x7EE0  }
0xc8: {  	[tilespmem:s17], [sflag:$0x1] =	stream.indirect.gather [hbm4b:s3+s12], $0x20, s1, s12, $0xb8;
	[tilespmem:$0x1A800] =	vst v63  }
0xc9: {  	s2 =	simm.s32 $0x7F18  }
0xca: {  	[tilespmem:s13], [sflag:$0x1] =	stream.indirect.gather [hbm4b:s3+s12], $0x20, s2, s12, $0xb8;
	[tilespmem:$0x1A800] =	vst v63  }
0xcb: {  	s13 =	simm.s32 $0x7F50  }
0xcc: {  	[tilespmem:s30], [sflag:$0x1] =	stream.indirect.gather [hbm4b:s3+s12], $0x20, s13, s12, $0xb8;
	[tilespmem:$0x1A800] =	vst v63  }
0xcd: {  	s14 =	simm.s32 $0x7F88  }
0xce: {  	[tilespmem:s21], [sflag:$0x1] =	stream.indirect.gather [hbm4b:s3+s12], $0x20, s14, s12, $0xb8;
	[tilespmem:$0x1A800] =	vst v63  }
0xcf: {  	s0 =	simm.s32 $0x1C00;
	s16 =	simm.s32 $0x7FC0;
	s18 =	simm.s32 $0x8030  }
0xd0: {  	[tilespmem:s4], [sflag:$0x1] =	stream.indirect.gather [hbm4b:s3+s12], $0x20, s16, s12, $0xb8;
	[tilespmem:$0x1A800] =	vst v63  }
0xd1: {  	s19 =	simm.s32 $0x8068;
	s20 =	simm.s32 $0x80A0;
	s17 =	simm.s32 $0x7FF8  }
0xd2: {  	[tilespmem:s5], [sflag:$0x1] =	stream.indirect.gather [hbm4b:s3+s12], $0x20, s17, s12, $0xb8;
	[tilespmem:$0x1A800] =	vst v63  }
0xd3: {  	s22 =	simm.s32 $0x8110;
	s28 =	simm.s32 $0xE640;
	s23 =	simm.s32 $0x8148  }
0xd4: {  	[tilespmem:s7], [sflag:$0x1] =	stream.indirect.gather [hbm4b:s3+s12], $0x20, s18, s12, $0xb8;
	[tilespmem:$0x1A800] =	vst v63  }
0xd5: {  	s1 =	simm.s32 $0xEC80;
	s2 =	simm.s32 $0x14400;
	s30 =	simm.s32 $0xFF40  }
0xd6: {  	[tilespmem:s8], [sflag:$0x1] =	stream.indirect.gather [hbm4b:s3+s12], $0x20, s19, s12, $0xb8;
	[tilespmem:$0x1A800] =	vst v63  }
0xd7: {  	s13 =	simm.s32 $0xF900;
	s21 =	simm.s32 $0x80D8;
	s14 =	simm.s32 $0x0  }
0xd8: {  	[tilespmem:s9], [sflag:$0x1] =	stream.indirect.gather [hbm4b:s3+s12], $0x20, s20, s12, $0xb8;
	[tilespmem:$0x1A800] =	vst v63  }
0xd9: {  	s16 =	simm.s32 $0x13DC0;
	s4 =	simm.s32 $0x10BC0;
	s5 =	simm.s32 $0x11200  }
0xda: {  	[tilespmem:s6], [sflag:$0x1] =	stream.indirect.gather [hbm4b:s3+s12], $0x20, s21, s12, $0xb8;
	[tilespmem:$0x1A800] =	vst v63  }
0xdb: {  	s17 =	simm.s32 $0xF2C0;
	s18 =	simm.s32 $0x14A40;
	s7 =	simm.s32 $0x11840  }
0xdc: {  	[tilespmem:s11], [sflag:$0x1] =	stream.indirect.gather [hbm4b:s3+s12], $0x20, s22, s12, $0xb8;
	[tilespmem:$0x1A800] =	vst v63  }
0xdd: {  	s19 =	sadd.s32 $0xC80, s15;
	s15 =	sadd.s32 $0x1900, s15;
	s8 =	simm.s32 $0x11E80  }
0xde: {  	[tilespmem:s10], [sflag:$0x1] =	stream.indirect.gather [hbm4b:s3+s12], $0x20, s23, s12, $0xb8;
	[tilespmem:$0x1A800] =	vst v63  }
0xdf: {  	s20 =	simm.s32 $0x15080;
	s9 =	simm.s32 $0x124C0;
	_ =	swait.ge [sflag:s29], $0x6400  }
0xe0: {  	s6 =	simm.s32 $0x12B00;
	s21 =	simm.s32 $0x10580;
	[sflag:s29] =	ssyncset.done $0x0  }
0xe1: {  	s11 =	simm.s32 $0x13140;
	s10 =	simm.s32 $0x13780;
	[sflag:s29] =	ssyncadd.s32 $0xFFFF9C00  }
.LBB2_4:
0xe2: {  	[hbm4b:s19+s14] =	stream.linear.scatter [tilespmem:s2], [sflag:$0x4], $0x6400, $0x38;
	[tilespmem:$0x1A800] =	vst v63  }
0xe3: {  	s19 =	smov.u32 s0;
	s0 =	sadd.s32 $0x1C00, s0;
	_ =	swait.ge [sflag:s31], $0x6400  }
0xe4: {  	s19 =	sshra.s32 s19, $0x2;
	p0 =	sne.s32 s0, $0x18800;
	[sflag:s31] =	ssyncset.done $0x0  }
0xe5: {  	s23 =	sadd.s32 $0x7A80, s19;
	[sflag:s31] =	ssyncadd.s32 $0xFFFF9C00  }
0xe6: {  	[tilespmem:s2], [sflag:$0x2] =	stream.indirect.gather [hbm4b:s3+s12], $0x20, s23, s12, $0xb8;
	[tilespmem:$0x1A800] =	vst v63  }
0xe7: {  	s23 =	sadd.s32 $0x7AB8, s19  }
0xe8: {  	[tilespmem:s18], [sflag:$0x2] =	stream.indirect.gather [hbm4b:s3+s12], $0x20, s23, s12, $0xb8;
	[tilespmem:$0x1A800] =	vst v63  }
0xe9: {  	s23 =	sadd.s32 $0x7AF0, s19  }
0xea: {  	[tilespmem:s20], [sflag:$0x2] =	stream.indirect.gather [hbm4b:s3+s12], $0x20, s23, s12, $0xb8;
	[tilespmem:$0x1A800] =	vst v63  }
0xeb: {  	s22 =	simm.s32 $0x156C0;
	s23 =	sadd.s32 $0x7B28, s19  }
0xec: {  	[tilespmem:s22], [sflag:$0x2] =	stream.indirect.gather [hbm4b:s3+s12], $0x20, s23, s12, $0xb8;
	[tilespmem:$0x1A800] =	vst v63  }
0xed: {  	s23 =	sadd.s32 $0x7B60, s19;
	s22 =	simm.s32 $0x15D00  }
0xee: {  	[tilespmem:s22], [sflag:$0x2] =	stream.indirect.gather [hbm4b:s3+s12], $0x20, s23, s12, $0xb8;
	[tilespmem:$0x1A800] =	vst v63  }
0xef: {  	s23 =	sadd.s32 $0x7B98, s19;
	s22 =	simm.s32 $0x16340  }
0xf0: {  	[tilespmem:s22], [sflag:$0x2] =	stream.indirect.gather [hbm4b:s3+s12], $0x20, s23, s12, $0xb8;
	[tilespmem:$0x1A800] =	vst v63  }
0xf1: {  	s23 =	sadd.s32 $0x7BD0, s19;
	s22 =	simm.s32 $0x16980  }
0xf2: {  	[tilespmem:s22], [sflag:$0x2] =	stream.indirect.gather [hbm4b:s3+s12], $0x20, s23, s12, $0xb8;
	[tilespmem:$0x1A800] =	vst v63  }
0xf3: {  	s23 =	sadd.s32 $0x7C08, s19;
	s22 =	simm.s32 $0x16FC0  }
0xf4: {  	[tilespmem:s22], [sflag:$0x2] =	stream.indirect.gather [hbm4b:s3+s12], $0x20, s23, s12, $0xb8;
	[tilespmem:$0x1A800] =	vst v63  }
0xf5: {  	s23 =	sadd.s32 $0x7C40, s19;
	s22 =	simm.s32 $0x17600  }
0xf6: {  	[tilespmem:s22], [sflag:$0x2] =	stream.indirect.gather [hbm4b:s3+s12], $0x20, s23, s12, $0xb8;
	[tilespmem:$0x1A800] =	vst v63  }
0xf7: {  	s23 =	sadd.s32 $0x7C78, s19;
	s22 =	simm.s32 $0x17C40  }
0xf8: {  	[tilespmem:s22], [sflag:$0x2] =	stream.indirect.gather [hbm4b:s3+s12], $0x20, s23, s12, $0xb8;
	[tilespmem:$0x1A800] =	vst v63  }
0xf9: {  	s23 =	sadd.s32 $0x7CB0, s19;
	s22 =	simm.s32 $0x18280  }
0xfa: {  	[tilespmem:s22], [sflag:$0x2] =	stream.indirect.gather [hbm4b:s3+s12], $0x20, s23, s12, $0xb8;
	[tilespmem:$0x1A800] =	vst v63  }
0xfb: {  	s23 =	sadd.s32 $0x7CE8, s19;
	s22 =	simm.s32 $0x188C0  }
0xfc: {  	[tilespmem:s22], [sflag:$0x2] =	stream.indirect.gather [hbm4b:s3+s12], $0x20, s23, s12, $0xb8;
	[tilespmem:$0x1A800] =	vst v63  }
0xfd: {  	s23 =	sadd.s32 $0x7D20, s19;
	s22 =	simm.s32 $0x18F00  }
0xfe: {  	[tilespmem:s22], [sflag:$0x2] =	stream.indirect.gather [hbm4b:s3+s12], $0x20, s23, s12, $0xb8;
	[tilespmem:$0x1A800] =	vst v63  }
0xff: {  	s23 =	sadd.s32 $0x7D58, s19;
	s22 =	simm.s32 $0x19540  }
0x100: {  	[tilespmem:s22], [sflag:$0x2] =	stream.indirect.gather [hbm4b:s3+s12], $0x20, s23, s12, $0xb8;
	[tilespmem:$0x1A800] =	vst v63  }
0x101: {  	s23 =	sadd.s32 $0x7D90, s19;
	s22 =	simm.s32 $0x19B80  }
0x102: {  	[tilespmem:s22], [sflag:$0x2] =	stream.indirect.gather [hbm4b:s3+s12], $0x20, s23, s12, $0xb8;
	[tilespmem:$0x1A800] =	vst v63  }
0x103: {  	s23 =	sadd.s32 $0x7DC8, s19;
	s22 =	simm.s32 $0x1A1C0  }
0x104: {  	[tilespmem:s22], [sflag:$0x2] =	stream.indirect.gather [hbm4b:s3+s12], $0x20, s23, s12, $0xb8;
	[tilespmem:$0x1A800] =	vst v63  }
0x105: {  	_ =	swait.ge [sflag:s24], $0x6400  }
0x106: {  	[sflag:s24] =	ssyncset.done $0x0  }
0x107: {  	[sflag:s24] =	ssyncadd.s32 $0xFFFF9C00  }
0x108: {  	[hbm4b:s15+s14] =	stream.linear.scatter [tilespmem:s25], [sflag:$0x3], $0x6400, $0x38;
	[tilespmem:$0x1A800] =	vst v63  }
0x109: {  	_ =	swait.ge [sflag:s26], $0x6400  }
0x10a: {  	[sflag:s26] =	ssyncset.done $0x0  }
0x10b: {  	s23 =	sadd.s32 $0x7E00, s19;
	[sflag:s26] =	ssyncadd.s32 $0xFFFF9C00  }
0x10c: {  	[tilespmem:s25], [sflag:$0x1] =	stream.indirect.gather [hbm4b:s3+s12], $0x20, s23, s12, $0xb8;
	[tilespmem:$0x1A800] =	vst v63  }
0x10d: {  	s23 =	sadd.s32 $0x7E38, s19  }
0x10e: {  	[tilespmem:s28], [sflag:$0x1] =	stream.indirect.gather [hbm4b:s3+s12], $0x20, s23, s12, $0xb8;
	[tilespmem:$0x1A800] =	vst v63  }
0x10f: {  	s23 =	sadd.s32 $0x7E70, s19  }
0x110: {  	[tilespmem:s1], [sflag:$0x1] =	stream.indirect.gather [hbm4b:s3+s12], $0x20, s23, s12, $0xb8;
	[tilespmem:$0x1A800] =	vst v63  }
0x111: {  	s23 =	sadd.s32 $0x7EA8, s19  }
0x112: {  	[tilespmem:s17], [sflag:$0x1] =	stream.indirect.gather [hbm4b:s3+s12], $0x20, s23, s12, $0xb8;
	[tilespmem:$0x1A800] =	vst v63  }
0x113: {  	s23 =	sadd.s32 $0x7EE0, s19  }
0x114: {  	[tilespmem:s13], [sflag:$0x1] =	stream.indirect.gather [hbm4b:s3+s12], $0x20, s23, s12, $0xb8;
	[tilespmem:$0x1A800] =	vst v63  }
0x115: {  	s23 =	sadd.s32 $0x7F18, s19  }
0x116: {  	[tilespmem:s30], [sflag:$0x1] =	stream.indirect.gather [hbm4b:s3+s12], $0x20, s23, s12, $0xb8;
	[tilespmem:$0x1A800] =	vst v63  }
0x117: {  	s23 =	sadd.s32 $0x7F50, s19  }
0x118: {  	[tilespmem:s21], [sflag:$0x1] =	stream.indirect.gather [hbm4b:s3+s12], $0x20, s23, s12, $0xb8;
	[tilespmem:$0x1A800] =	vst v63  }
0x119: {  	s23 =	sadd.s32 $0x7F88, s19  }
0x11a: {  	[tilespmem:s4], [sflag:$0x1] =	stream.indirect.gather [hbm4b:s3+s12], $0x20, s23, s12, $0xb8;
	[tilespmem:$0x1A800] =	vst v63  }
0x11b: {  	s23 =	sadd.s32 $0x7FC0, s19  }
0x11c: {  	[tilespmem:s5], [sflag:$0x1] =	stream.indirect.gather [hbm4b:s3+s12], $0x20, s23, s12, $0xb8;
	[tilespmem:$0x1A800] =	vst v63  }
0x11d: {  	s23 =	sadd.s32 $0x7FF8, s19  }
0x11e: {  	[tilespmem:s7], [sflag:$0x1] =	stream.indirect.gather [hbm4b:s3+s12], $0x20, s23, s12, $0xb8;
	[tilespmem:$0x1A800] =	vst v63  }
0x11f: {  	s23 =	sadd.s32 $0x8030, s19  }
0x120: {  	[tilespmem:s8], [sflag:$0x1] =	stream.indirect.gather [hbm4b:s3+s12], $0x20, s23, s12, $0xb8;
	[tilespmem:$0x1A800] =	vst v63  }
0x121: {  	s23 =	sadd.s32 $0x8068, s19  }
0x122: {  	[tilespmem:s9], [sflag:$0x1] =	stream.indirect.gather [hbm4b:s3+s12], $0x20, s23, s12, $0xb8;
	[tilespmem:$0x1A800] =	vst v63  }
0x123: {  	s23 =	sadd.s32 $0x80A0, s19  }
0x124: {  	[tilespmem:s6], [sflag:$0x1] =	stream.indirect.gather [hbm4b:s3+s12], $0x20, s23, s12, $0xb8;
	[tilespmem:$0x1A800] =	vst v63  }
0x125: {  	s23 =	sadd.s32 $0x80D8, s19  }
0x126: {  	[tilespmem:s11], [sflag:$0x1] =	stream.indirect.gather [hbm4b:s3+s12], $0x20, s23, s12, $0xb8;
	[tilespmem:$0x1A800] =	vst v63  }
0x127: {  	s23 =	sadd.s32 $0x8110, s19  }
0x128: {  	[tilespmem:s10], [sflag:$0x1] =	stream.indirect.gather [hbm4b:s3+s12], $0x20, s23, s12, $0xb8;
	[tilespmem:$0x1A800] =	vst v63  }
.Ltmp1:
0x129: {  	s19 =	sadd.s32 $0x8148, s19;
	(pc) =	sbr.rel @p0 .LBB2_4-.Ltmp1, $4  }
0x12a: {  	[tilespmem:s16], [sflag:$0x1] =	stream.indirect.gather [hbm4b:s3+s12], $0x20, s19, s12, $0xb8;
	[tilespmem:$0x1A800] =	vst v63  }
0x12b: {  	_ =	swait.ge [sflag:s29], $0x6400  }
0x12c: {  	[sflag:s29] =	ssyncset.done $0x0  }
0x12d: {  	s19 =	sadd.s32 $0xC80, s15;
	s15 =	sadd.s32 $0x1900, s15;
	[sflag:s29] =	ssyncadd.s32 $0xFFFF9C00  }
0x12e: {  	[hbm4b:s19+s14] =	stream.linear.scatter [tilespmem:s2], [sflag:$0x4], $0x6400, $0x38;
	[tilespmem:$0x1A800] =	vst v63  }
0x12f: {  	_ =	swait.ge [sflag:s31], $0x6400  }
0x130: {  	[sflag:s31] =	ssyncset.done $0x0  }
0x131: {  	s1 =	simm.s32 $0xDC80;
	s0 =	sshra.s32 s0, $0x2;
	[sflag:s31] =	ssyncadd.s32 $0xFFFF9C00  }
0x132: {  	[tilespmem:s2], [sflag:$0x2] =	stream.indirect.gather [hbm4b:s3+s12], $0x20, s1, s12, $0xb8;
	[tilespmem:$0x1A800] =	vst v63  }
0x133: {  	s15 =	sadd.s32 $0x7AB8, s0  }
0x134: {  	[tilespmem:s18], [sflag:$0x2] =	stream.indirect.gather [hbm4b:s3+s12], $0x20, s15, s12, $0xb8;
	[tilespmem:$0x1A800] =	vst v63  }
0x135: {  	s8 =	sadd.s32 $0x7AF0, s0  }
0x136: {  	[tilespmem:s20], [sflag:$0x2] =	stream.indirect.gather [hbm4b:s3+s12], $0x20, s8, s12, $0xb8;
	[tilespmem:$0x1A800] =	vst v63  }
0x137: {  	s10 =	simm.s32 $0x156C0;
	s9 =	sadd.s32 $0x7B28, s0  }
0x138: {  	[tilespmem:s10], [sflag:$0x2] =	stream.indirect.gather [hbm4b:s3+s12], $0x20, s9, s12, $0xb8;
	[tilespmem:$0x1A800] =	vst v63  }
0x139: {  	s13 =	simm.s32 $0x15D00;
	s11 =	sadd.s32 $0x7B60, s0  }
0x13a: {  	[tilespmem:s13], [sflag:$0x2] =	stream.indirect.gather [hbm4b:s3+s12], $0x20, s11, s12, $0xb8;
	[tilespmem:$0x1A800] =	vst v63  }
0x13b: {  	s17 =	simm.s32 $0x16340;
	s16 =	sadd.s32 $0x7B98, s0  }
0x13c: {  	[tilespmem:s17], [sflag:$0x2] =	stream.indirect.gather [hbm4b:s3+s12], $0x20, s16, s12, $0xb8;
	[tilespmem:$0x1A800] =	vst v63  }
0x13d: {  	s19 =	simm.s32 $0x16980;
	s18 =	sadd.s32 $0x7BD0, s0  }
0x13e: {  	[tilespmem:s19], [sflag:$0x2] =	stream.indirect.gather [hbm4b:s3+s12], $0x20, s18, s12, $0xb8;
	[tilespmem:$0x1A800] =	vst v63  }
0x13f: {  	s21 =	simm.s32 $0x16FC0;
	s20 =	sadd.s32 $0x7C08, s0  }
0x140: {  	[tilespmem:s21], [sflag:$0x2] =	stream.indirect.gather [hbm4b:s3+s12], $0x20, s20, s12, $0xb8;
	[tilespmem:$0x1A800] =	vst v63  }
0x141: {  	s23 =	simm.s32 $0x17600;
	s22 =	sadd.s32 $0x7C40, s0  }
0x142: {  	[tilespmem:s23], [sflag:$0x2] =	stream.indirect.gather [hbm4b:s3+s12], $0x20, s22, s12, $0xb8;
	[tilespmem:$0x1A800] =	vst v63  }
0x143: {  	s5 =	simm.s32 $0x17C40;
	s4 =	sadd.s32 $0x7C78, s0  }
0x144: {  	[tilespmem:s5], [sflag:$0x2] =	stream.indirect.gather [hbm4b:s3+s12], $0x20, s4, s12, $0xb8;
	[tilespmem:$0x1A800] =	vst v63  }
0x145: {  	s7 =	simm.s32 $0x18280;
	s6 =	sadd.s32 $0x7CB0, s0  }
0x146: {  	[tilespmem:s7], [sflag:$0x2] =	stream.indirect.gather [hbm4b:s3+s12], $0x20, s6, s12, $0xb8;
	[tilespmem:$0x1A800] =	vst v63  }
0x147: {  	s8 =	sadd.s32 $0x7CE8, s0;
	s9 =	simm.s32 $0x188C0  }
0x148: {  	[tilespmem:s9], [sflag:$0x2] =	stream.indirect.gather [hbm4b:s3+s12], $0x20, s8, s12, $0xb8;
	[tilespmem:$0x1A800] =	vst v63  }
0x149: {  	s10 =	sadd.s32 $0x7D20, s0;
	s11 =	simm.s32 $0x18F00  }
0x14a: {  	[tilespmem:s11], [sflag:$0x2] =	stream.indirect.gather [hbm4b:s3+s12], $0x20, s10, s12, $0xb8;
	[tilespmem:$0x1A800] =	vst v63  }
0x14b: {  	s13 =	sadd.s32 $0x7D58, s0;
	s16 =	simm.s32 $0x19540  }
0x14c: {  	[tilespmem:s16], [sflag:$0x2] =	stream.indirect.gather [hbm4b:s3+s12], $0x20, s13, s12, $0xb8;
	[tilespmem:$0x1A800] =	vst v63  }
0x14d: {  	s17 =	sadd.s32 $0x7D90, s0;
	s18 =	simm.s32 $0x19B80  }
0x14e: {  	[tilespmem:s18], [sflag:$0x2] =	stream.indirect.gather [hbm4b:s3+s12], $0x20, s17, s12, $0xb8;
	[tilespmem:$0x1A800] =	vst v63  }
0x14f: {  	s0 =	sadd.s32 $0x7DC8, s0;
	s19 =	simm.s32 $0x1A1C0  }
0x150: {  	[tilespmem:s19], [sflag:$0x2] =	stream.indirect.gather [hbm4b:s3+s12], $0x20, s0, s12, $0xb8;
	[tilespmem:$0x1A800] =	vst v63  }
0x151: {  	_ =	swait.ge [sflag:s24], $0x6400  }
0x152: {  	[sflag:s24] =	ssyncset.done $0x0  }
0x153: {  	s20 =	rddreg [dreg:$0x7];
	[sflag:s24] =	ssyncadd.s32 $0xFFFF9C00  }
0x154: {  	[hbm4b:s20+s14] =	stream.linear.scatter [tilespmem:s25], [sflag:$0x3], $0x6400, $0x38;
	[tilespmem:$0x1A800] =	vst v63  }
0x155: {  	_ =	swait.ge [sflag:s29], $0x6400  }
0x156: {  	[sflag:s29] =	ssyncset.done $0x0  }
0x157: {  	s21 =	rddreg [dreg:$0x8];
	[sflag:s29] =	ssyncadd.s32 $0xFFFF9C00  }
0x158: {  	[hbm4b:s21+s14] =	stream.linear.scatter [tilespmem:s2], [sflag:$0x4], $0x6400, $0x38;
	[tilespmem:$0x1A800] =	vst v63  }
0x159: {  	_ =	swait.ge [sflag:s26], $0x6400  }
0x15a: {  	[sflag:s26] =	ssyncset.done $0x0  }
0x15b: {  	s28 =	simm.s32 $0xEC80;
	s30 =	simm.s32 $0x10580;
	[sflag:s26] =	ssyncadd.s32 $0xFFFF9C00  }
0x15c: {  	s1 =	simm.s32 $0xF2C0;
	s4 =	simm.s32 $0x11200;
	_ =	swait.ge [sflag:s31], $0x6400  }
0x15d: {  	s5 =	simm.s32 $0x11840;
	s7 =	simm.s32 $0x11E80;
	s22 =	rddreg [dreg:$0xa]  }
0x15e: {  	s6 =	simm.s32 $0x13140;
	s23 =	rddreg [dreg:$0x4];
	s15 =	sadd.s32 $0x1, s22  }
0x15f: {  	s8 =	simm.s32 $0x124C0;
	s9 =	simm.s32 $0x12B00;
	p0 =	sne.s32 s15, s23  }
.Ltmp2:
0x160: {  	s11 =	simm.s32 $0x13780;
	s10 =	simm.s32 $0x13DC0;
	(pc) =	sbr.rel @p0 .LBB2_1-.Ltmp2, $4  }
0x161: {  	s13 =	simm.s32 $0xFF40;
	s16 =	simm.s32 $0x14A40;
	s17 =	simm.s32 $0xF900  }
0x162: {  	s18 =	simm.s32 $0x15080;
	s20 =	simm.s32 $0x156C0;
	s21 =	simm.s32 $0x10BC0  }
0x163: {  	s2 =	simm.s32 $0x0;
	s14 =	simm.s32 $0x14400;
	[sflag:s31] =	ssyncset.done $0x0  }
0x164: {  	[sflag:s31] =	ssyncadd.s32 $0xFFFF9C00;
	s22 =	simm.s32 $0x15D00;
	s23 =	simm.s32 $0xE640  }
0x165: {  	_ =	sfence.sel $0x180000  }
0x166: {  	[bflag:$0x0] =	sbarrier.arrive $0xFFFF  }
0x167: {  	_ =	strace $0x90000047  }
0x168: {  	s0 =	stileid.u32;
	[bflag:$0x2] =	sbarrier.arrive $0xFFFF  }
0x169: {  	p0 =	sne.s32 s0, $0x0;
	s0 =	rddreg [dreg:$0x2]  }
0x16a: {  	s0 =	sadd.s32 @!p0 $0x100000, s0  }
0x16b: {  	[sflag:s0] =	ssyncadd.tile.s32 @!p0 $0x1;
	_ =	shalt  }
.Lfunc_end2:
_tile_overlayer_lowered:
.L_overlay_start_2:
0x16c: {  	(tag) =	ssettag $0x2  }
0x16d: {  	s0 =	rddreg [dreg:$0x0];
	s2 =	stileid.u32  }
0x16e: {  	s1 =	rddreg [dreg:$0x1];
	p0 =	sne.s32 s2, $0x0  }
0x16f: {  	s3 =	rddreg [dreg:$0x2];
	[bflag:$0x3] =	sbarrier.arrive $0xFFFF;
	s2 =	simm.s32 @!p0 $0x1C05  }
0x170: {  	[timem:s3], [sflag:s2] =	dma.local @!p0 [hbm:s0], s1  }
0x171: {  	s0 =	simm.s32 @!p0 $0x5  }
0x172: {  	_ =	swait.ge @!p0 [sflag:s0], s1  }
0x173: {  	s1 =	ssub.s32 @!p0 $0x0, s1;
	[sflag:s0] =	ssyncset.done @!p0 $0x0  }
0x174: {  	[sflag:s0] =	ssyncadd.s32 @!p0 s1  }
0x175: {  	[bflag:$0x3] =	sbarrier.arrive $0xFFFF  }
0x176: {  	_ =	shalt  }

// kernel: sparse-core-data-format-call.cloned.1.call-start
scs
called_computation_lowered:
.L_overlay_start_0:
0x0: {  	s2 =	sld [smem:$0x3FD9]  }
0x1: {  	s3 =	sld [smem:$0x3FFE];
	_ =	sdelay $0x1  }
0x2: {  	s1 =	srdreg.scid  }
0x3: {  	s0 =	sand.u32 $0x1, s1  }
0x4: {  	s18 =	sshll.u32 s0, $0xA;
	s2 =	sadd.s32 s3, s2  }
0x5: {  	s2 =	sadd.s32 s2, s18  }
0x6: {  	[smem:$0x3FC6] =	sst s2  }
0x7: {  	_ = 	snop  }
0x8: {  	s2 =	sld [smem:$0x3FD0];
	(tm) =	ssettm $0x1  }
0x9: {  	s19 =	sld [smem:$0x3FFB];
	_ =	sdelay $0x3  }
0xa: {  	_ =	strace s19  }
0xb: {  	s3 =	sld [smem:$0x3FFC];
	_ =	sdelay $0x3  }
0xc: {  	_ =	strace s3  }
0xd: {  	s3 =	sld [smem:$0x3FFD];
	_ =	sdelay $0x3  }
0xe: {  	_ =	strace s3  }
0xf: {  	_ =	strace $0x8FFFFFFF  }
0x10: {  	s20 =	sld [smem:$0x3FDB];
	_ =	sdelay $0x1  }
0x11: {  	s4 =	simm.s32 $_scs_section_size  }
0x12: {  	s5 =	simm.s32 $_size__tile_overlayer_lowered;
	s6 =	simm.s32 $_tile_overlayer_lowered  }
0x13: {  	s23 =	simm.s32 $0x1BFF;
	s22 =	sshll.u32 s6, $0x1;
	s3 =	sadd.s32 s4, s20  }
0x14: {  	s7 =	simm.s32 $0x0;
	s21 =	sshll.u32 s5, $0x1;
	s5 =	sadd.s32 s22, s3  }
0x15: {  	[timem:s7], [sflag:s23] =	dma.local [hbm:s5], s21  }
0x16: {  	_ =	swait.ge [sflag:s23], s21  }
0x17: {  	s4 =	ssub.s32 $0x0, s21;
	[sflag:s23] =	ssyncset.done $0x0  }
0x18: {  	[sflag:s23] =	ssyncadd.s32 s4;
	_ =	sdelay $0x1  }
0x19: {  	s24 =	simm.s32 $0x1B8B  }
0x1a: {  	_ =	swait.ge [sflag:s24], $0x1  }
0x1b: {  	[sflag:s24] =	ssyncset.done $0x0  }
0x1c: {  	s26 =	simm.s32 $0x1B8E;
	s25 =	sld [smem:$0x3FFE];
	[sflag:s24] =	ssyncadd.s32 $0xFFFFFFFF  }
0x1d: {  	s27 =	simm.s32 $execute0_lowered;
	[smem:$0x3FD2] =	sst s26  }
0x1e: {  	s5 =	sshll.u32 s27, $0x1;
	_ =	strace $0x80000049;
	[dreg:$0x1] =	wrdreg $0xFFFFFFFF  }
0x1f: {  	s28 =	simm.s32 $_size_execute0_lowered;
	s3 =	sadd.s32 s3, s5;
	[dreg:$0x0] =	wrdreg $0x0  }
0x20: {  	s5 =	sshll.u32 s28, $0x1;
	[dreg:$0x2] =	wrdreg s3  }
0x21: {  	[dreg:$0x3] =	wrdreg s5  }
0x22: {  	[dreg:$0x4] =	wrdreg $0xC0  }
0x23: {  	_ =	task [dreg:s7], $0x5FFFF  }
0x24: {  	[dreg:$0x1] =	wrdreg $0xFFFFFFFF  }
0x25: {  	[dreg:$0x0] =	wrdreg $0x60  }
0x26: {  	[dreg:$0x2] =	wrdreg s25  }
0x27: {  	[dreg:$0x3] =	wrdreg s2  }
0x28: {  	[dreg:$0x4] =	wrdreg $0x9  }
0x29: {  	_ =	task.clear_ibuf [dreg:s7], $0x5FFFF;
	_ =	strace $0x90000049  }
0x2a: {  	s29 =	simm.s32 $0x9;
	_ =	strace $0x8000004B  }
0x2b: {  	_ =	swait.ge [sflag:s29], $0x1  }
0x2c: {  	[sflag:s29] =	ssyncadd.s32 $0xFFFFFFFF  }
0x2d: {  	_ =	strace $0x9000004B  }
0x2e: {  	_ =	sfence  }
0x2f: {  	s30 =	sld [smem:$0x0];
	_ =	sdelay $0x2  }
0x30: {  	s31 =	sshll.u32 s1, $0xD;
	s1 =	sshrl.u32 s1, $0x2  }
0x31: {  	s3 =	sand.u32 $0x4000, s31;
	s1 =	sadd.s32 s1, s30  }
0x32: {  	s0 =	sor.u32 s3, s0;
	s1 =	sshll.u32 s1, $0x11  }
0x33: {  	s0 =	sor.u32 s1, s0  }
0x34: {  	s0 =	sadd.s32 $0x8F2B, s0  }
0x35: {  	[sflag:s0] =	ssyncadd.remote.s32 $0x1  }
0x36: {  	_ =	sfence.sel $0xFFFF  }
0x37: {  	[dreg:$0x0] =	wrdreg $0xFFFFFFFF;
	(pc) =	sbr.abs _section_cstart, $3  }
0x38: {  	[dreg:$0x1] =	wrdreg $0xFFFFFFFF  }
0x39: {  	_ =	task.clear_ibuf [dreg:s7], $0x2FFFF;
	_ =	strace $0x9FFFFFFF  }
0x3a: {  	(tm) =	ssettm $0x7FFFFFFF  }
0x3b: {  	_ =	shalt  }
tec
execute0_lowered:
.L_overlay_start_1:
0x0: {  	(tag) =	ssettag $0x1  }
0x1: {  	s0 =	srdreg.scid  }
0x2: {  	s1 =	sshll.u32 s0, $0x4  }
0x3: {  	s0 =	stileid.u32;
	s1 =	sand.u32 $0x10, s1  }
0x4: {  	s1 =	sor.u32 s0, s1  }
0x5: {  	s6 =	rddreg [dreg:$0x0];
	s4 =	simm.s32 $0x1;
	s2 =	sshll.u32 s1, $0x7  }
0x6: {  	s7 =	simm.s32 $0x2;
	s12 =	simm.s32 $0x0;
	s1 =	ssub.s32 $0x4000, s2  }
0x7: {  	s8 =	simm.s32 $0x20000;
	s13 =	simm.s32 $0x0;
	s3 =	sand.u32 $0xF80, s1  }
0x8: {  	s9 =	simm.s32 $0x0;
	s5 =	sshrl.u32 s1, $0xC;
	p0 =	sne.s32 s3, $0x0  }
.Ltmp0:
0x9: {  	s1 =	rddreg [dreg:$0x2];
	s4 =	simm.s32 @!p0 $0x0;
	(pc) =	sbr.rel .LBB1_1-.Ltmp0, $4  }
0xa: {  	s11 =	simm.s32 $0x0;
	s3 =	rddreg [dreg:$0x1];
	s5 =	sadd.s32 s4, s5  }
0xb: {  	_ =	strace $0x8000004A;
	s4 =	simm.s32 $0x1;
	s5 =	smul.u32 $0x32, s5  }
0xc: {  	s6 =	sadd.s32 $0xA00, s6;
	s10 =	smov.u32 s2;
	[sflag:s4] =	ssyncpa.u1 $0x0  }
0xd: {  	p0 =	por $0x0, $0x0;
	[sflag:s7] =	ssyncpa.u1 $0x0;
	s7 =	sor.u32 $0x1, s5  }
.LBB1_4:
0xe: {  	s16 =	sshll.u32 s13, $0x3;
	s17 =	sand.u32 $0x78, s13  }
0xf: {  	s30 =	sand.u32 $0xF800, s13;
	s12 =	sshll.u32 s12, $0x10;
	s16 =	sand.u32 $0x3C00, s16  }
0x10: {  	s31 =	sand.u32 $0x7, s13;
	s16 =	sor.u32 s17, s16;
	s17 =	sadd.s32 s3, s30  }
0x11: {  	s13 =	sshll.u32 s31, $0x12;
	s16 =	sshrl.u32 s16, $0x3;
	s12 =	sadd.s32 s12, s17  }
0x12: {  	[tilespmem:s15+$0x0 ss:$0x81] =	vst.msk $0xffff, v0;
	s13 =	sor.u32 $0x400, s13;
	s12 =	sadd.s32 s16, s12  }
0x13: {  	[hbm4b:s12+s13] =	stream.strided.scatter [tilespmem:s14], [sflag:$0x2], $0x1000, s8, s13, $0x20;
	[tilespmem:$0x4040] =	vst v63  }
.LBB1_5:
0x14: {  	s14 =	sadd.s32 $0x1, s9  }
0x15: {  	s12 =	sadd.s32 $0x1000, s10;
	s16 =	smov.u32 s10;
	p2 =	sgt.s32 s14, $0x31  }
0x16: {  	s16 =	smov.u32 @p2 s12  }
0x17: {  	s14 =	simm.s32 @p2 $0x0;
	p2 =	sgt.s32 s16, $0x3FFF  }
0x18: {  	s16 =	smov.u32 @p2 s2;
	p2 =	sne.s32 s11, s7  }
.Ltmp1:
0x19: {  	p1 =	slt.u32 s11, $0x2;
	(pc) =	sbr.rel @!p2 .LBB1_6-.Ltmp1, $4  }
0x1a: {  	s15 =	simm.s32 @!p1 $0x2  }
0x1b: {  	s13 =	smov.u32 s10;
	p0 =	por !p0, !p0;
	_ =	swait.ge @!p1 [sflag:s15], $0x1000  }
0x1c: {  	s12 =	smov.u32 s9;
	[sflag:s15] =	ssyncset.done @!p1 $0x0;
	s9 =	smov.u32 s14  }
0x1d: {  	s11 =	sadd.s32 $0x1, s11;
	[sflag:s15] =	ssyncadd.s32 @!p1 $0xFFFFF000;
	s10 =	smov.u32 s16  }
.LBB1_1:
0x1e: {  	p1 =	sge.u32 s11, s5  }
0x1f: {  	s14 =	sand.u32 @!p1 $0x1FFFFFF, s9  }
0x20: {  	s15 =	smulhi.u32 @!p1 $0x4924925, s14;
	_ =	sdelay $0x1  }
0x21: {  	s15 =	smul.u32 @!p1 $0x38, s15  }
0x22: {  	s16 =	sxor.u32 @!p1 $0xFFFFFFFF, s11;
	s17 =	smul.u32 @!p1 $0x380, s10  }
0x23: {  	s31 =	sadd.s32 $0xFFFFFFFF, s11;
	s16 =	sshll.u32 @!p1 s16, $0xC;
	s14 =	ssub.s32 @!p1 s14, s15  }
0x24: {  	s15 =	sand.u32 @!p1 $0x1000, s16;
	s16 =	sadd.s32 @!p1 s6, s17;
	s14 =	sshll.u32 @!p1 s14, $0x4  }
0x25: {  	s17 =	simm.s32 @!p1 $0x1C00;
	s14 =	sadd.s32 @!p1 s14, s16;
	s16 =	simm.s32 @!p1 $0x20  }
0x26: {  	[tilespmem:s15], [sflag:$0x1] =	stream.strided.gather @!p1 [hbm4b:s14+s16], $0x1000, s17, s16, $0x38;
	[tilespmem:$0x4040] =	vst v63  }
0x27: {  	p1 =	sge.u32 s31, s5  }
.Ltmp2:
0x28: {  	_ = 	snop;
	(pc) =	sbr.rel @p1 .LBB1_5-.Ltmp2, $1  }
0x29: {  	_ =	sdelay $0x3  }
0x2a: {  	s14 =	simm.s32 $0x1  }
0x2b: {  	_ =	swait.ge [sflag:s4], $0x1000;
	s14 =	simm.s32 @!p0 $0x0  }
0x2c: {  	[sflag:s4] =	ssyncset.done $0x0;
	s15 =	sshll.u32 s14, $0xC  }
0x2d: {  	[sflag:s4] =	ssyncadd.s32 $0xFFFFF000;
	s18 =	sor.u32 $0x10, s15  }
0x2e: {  	s14 =	smul.u32 $0x4080, s14;
	v1 =	vld [tilespmem:s18+$0x0]  }
0x2f: {  	s30 =	sand.u32 $0x1, s11;
	v0 =	vld [tilespmem:s18+$0xFFFFFFF0]  }
0x30: {  	s15 =	smul.u32 $0x4080, s30;
	s14 =	sshrl.u32 s14, $0x2  }
0x31: {  	s16 =	sor.u32 $0x2000, s14  }
0x32: {  	s31 =	sshrl.u32 s15, $0x2;
	s15 =	sadd.s32 $0x0, s16  }
0x33: {  	s17 =	simm.s32 $0x4;
	s18 =	sadd.s32 $0x20, s18;
	s14 =	sor.u32 $0x2000, s31;
	[tilespmem:s15+$0x810 ss:$0x81] =	vst.msk $0xffff, v1  }
.LBB1_3:
0x34: {  	v1 =	vld [tilespmem:s18+$0x0];
	p1 =	sne.s32 s17, $0x1FC;
	[tilespmem:s15+$0x0 ss:$0x81] =	vst.msk $0xffff, v0;
	s15 =	smov.u32 s17;
	s17 =	sadd.s32 $0x4, s17  }
.Ltmp3:
0x35: {  	v0 =	vld [tilespmem:s18+$0xFFFFFFF0];
	(pc) =	sbr.rel @p1 .LBB1_3-.Ltmp3, $4  }
0x36: {  	_ = 	snop  }
0x37: {  	s15 =	sshra.s32 s15, $0x2  }
0x38: {  	s15 =	sadd.s32 s15, s16  }
0x39: {  	s18 =	sadd.s32 $0x20, s18;
	[tilespmem:s15+$0x810 ss:$0x81] =	vst.msk $0xffff, v1  }
.Ltmp4:
0x3a: {  	_ = 	snop;
	(pc) =	sbr.rel .LBB1_4-.Ltmp4, $1  }
0x3b: {  	_ =	sdelay $0x3  }
.LBB1_6:
0x3c: {  	_ =	sfence.sel $0x180000  }
0x3d: {  	s2 =	simm.s32 $0x1;
	[bflag:$0x0] =	sbarrier.arrive $0xFFFF  }
0x3e: {  	s31 =	simm.s32 $0x2;
	[sflag:s2] =	ssyncpa.u1 $0x1  }
0x3f: {  	[sflag:s31] =	ssyncpa.u1 $0x1  }
0x40: {  	p0 =	sne.s32 s0, $0x0;
	_ =	strace $0x9000004A  }
0x41: {  	s0 =	sadd.s32 @!p0 $0x100000, s1;
	[bflag:$0x2] =	sbarrier.arrive $0xFFFF  }
0x42: {  	[sflag:s0] =	ssyncadd.tile.s32 @!p0 $0x1;
	_ =	shalt  }
.Lfunc_end1:
_tile_overlayer_lowered:
.L_overlay_start_2:
0x43: {  	(tag) =	ssettag $0x2  }
0x44: {  	s0 =	rddreg [dreg:$0x0];
	s2 =	stileid.u32  }
0x45: {  	s1 =	rddreg [dreg:$0x1];
	p0 =	sne.s32 s2, $0x0  }
0x46: {  	s3 =	rddreg [dreg:$0x2];
	[bflag:$0x3] =	sbarrier.arrive $0xFFFF;
	s2 =	simm.s32 @!p0 $0x1C01  }
0x47: {  	[timem:s3], [sflag:s2] =	dma.local @!p0 [hbm:s0], s1  }
0x48: {  	s0 =	simm.s32 @!p0 $0x1  }
0x49: {  	_ =	swait.ge @!p0 [sflag:s0], s1  }
0x4a: {  	s1 =	ssub.s32 @!p0 $0x0, s1;
	[sflag:s0] =	ssyncset.done @!p0 $0x0  }
0x4b: {  	[sflag:s0] =	ssyncadd.s32 @!p0 s1  }
0x4c: {  	[bflag:$0x3] =	sbarrier.arrive $0xFFFF  }
0x4d: {  	_ =	shalt  }

</sc_bundles>
